<compile_context>
chip_gen: v7x
topology: tpu7x:2x2x1
jax: 0.10.2.dev20260603
libtpu: 0.0.44.dev20260713+nightly
codegen_flags: <defaults>
</compile_context>

<pallas_src>
import functools

import jax
import jax.numpy as jnp
from jax import lax
from jax.experimental import pallas as pl
from jax.experimental.pallas import tpu as pltpu
from jax.experimental.pallas import tpu_sc as plsc

NUM_CORES = 2
NUM_SUBCORES = 16
NUM_TILES = NUM_CORES * NUM_SUBCORES
CB = 128
NBUF = 4


@functools.lru_cache(maxsize=None)
def _build(Bt, S, D, SP):
    bpt = Bt // NUM_TILES
    cpr = bpt // CB
    n_units = S * cpr
    assert (n_units - NBUF) % NBUF == 0
    mesh = plsc.VectorSubcoreMesh(core_axis_name="c", subcore_axis_name="s")

    def body(tok_ref, table_ref, out_ref, idx_v, rows0, rows1, rows2, rows3,
             g0, g1, g2, g3, o0, o1, o2, o3):
        wid = lax.axis_index("s") * NUM_CORES + lax.axis_index("c")
        b0 = wid * bpt
        pltpu.sync_copy(tok_ref.at[:, pl.ds(b0, bpt)], idx_v)
        rows = (rows0, rows1, rows2, rows3)
        gsem = (g0, g1, g2, g3)
        osem = (o0, o1, o2, o3)

        def fire_gather(u, buf):
            s = lax.div(u, cpr)
            c = lax.rem(u, cpr)
            pltpu.async_copy(
                table_ref.at[idx_v.at[s, pl.ds(c * CB, CB)]],
                rows[buf].at[:, 0], gsem[buf])

        def wait_gather(buf):
            pltpu.make_async_copy(
                table_ref.at[idx_v.at[0, pl.ds(0, CB)]],
                rows[buf].at[:, 0], gsem[buf]).wait()

        def out_slice(u):
            s = lax.div(u, cpr)
            c = lax.rem(u, cpr)
            return out_ref.at[pl.ds(b0 + c * CB, CB), pl.ds(s, 1),
                              pl.ds(0, D)]

        def fire_out(u, buf):
            pltpu.async_copy(
                rows[buf].at[:, :, pl.ds(0, D)], out_slice(u), osem[buf])

        def wait_out(u, buf):
            pltpu.make_async_copy(
                rows[buf].at[:, :, pl.ds(0, D)], out_slice(u), osem[buf]).wait()

        def step(u, k, first=False, fire=True):
            if fire:
                if not first:
                    wait_out(u - 1, (k - 1) % NBUF)
                fire_gather(u + NBUF - 1, (k - 1) % NBUF)
            wait_gather(k)
            fire_out(u, k)

        for k in range(NBUF - 1):
            fire_gather(k, k)
        step(0, 0, first=True)

        @pl.loop(1, n_units - NBUF + 1, step=NBUF)
        def _round(u):
            for k in range(NBUF):
                step(u + k, (1 + k) % NBUF)

        for k in range(NBUF - 1):
            u = n_units - NBUF + 1 + k
            step(u, u % NBUF, fire=False)
        for k in range(NBUF):
            u = n_units - NBUF + k
            wait_out(u, u % NBUF)

    return pl.kernel(
        body,
        out_type=jax.ShapeDtypeStruct((Bt, SP, 128), jnp.float32),
        mesh=mesh,
        scratch_types=[
            pltpu.VMEM((SP, Bt // NUM_TILES), jnp.int32),
            pltpu.VMEM((CB, 1, 128), jnp.float32),
            pltpu.VMEM((CB, 1, 128), jnp.float32),
            pltpu.VMEM((CB, 1, 128), jnp.float32),
            pltpu.VMEM((CB, 1, 128), jnp.float32),
            pltpu.SemaphoreType.DMA,
            pltpu.SemaphoreType.DMA,
            pltpu.SemaphoreType.DMA,
            pltpu.SemaphoreType.DMA,
            pltpu.SemaphoreType.DMA,
            pltpu.SemaphoreType.DMA,
            pltpu.SemaphoreType.DMA,
            pltpu.SemaphoreType.DMA,
        ],
        compiler_params=pltpu.CompilerParams(use_tc_tiling_on_sc=False),
    )


def kernel(token_ids, weight):
    Bt, S = token_ids.shape
    V, D = weight.shape
    SP = (S + 7) // 8 * 8
    tok = jnp.pad(token_ids.T.astype(jnp.int32), ((0, SP - S), (0, 0)))
    wpad = jnp.pad(weight, ((0, 0), (0, 128 - D)))
    out = _build(Bt, S, D, SP)(tok, wpad)
    return out[:, :S, :D]

# --- scband reference (transcript-rebuilt; emitter-appended) ---
"""Pipeline reference for scband-embedding-20710332301936 (READ-ONLY COPY).

The authoritative reference and input builder live on the scoring server;
editing this copy changes nothing except your own understanding.
"""

import jax, jax.numpy as jnp
import numpy as np
import math

NUM_EMBEDDINGS = 1000000
EMBEDDING_DIM = 64

def setup_inputs(seed: int = 0) -> dict:
    key = jax.random.key(seed)
    k1, k2 = jax.random.split(key)
    token_ids = jax.random.randint(k1, (16384, 50), 0, NUM_EMBEDDINGS, dtype=jnp.int64 if jax.config.jax_enable_x64 else jnp.int32)
    std = math.sqrt(1.0 / EMBEDDING_DIM)
    # truncated normal in [-3*std, 3*std] with std ~ std
    weight = jax.random.truncated_normal(k2, -3.0, 3.0, (NUM_EMBEDDINGS, EMBEDDING_DIM), dtype=jnp.float32) * std
    return {"token_ids": token_ids, "weight": weight}

def reference(token_ids, weight):
    # Faithful to torch forward: return self.weight[token_ids]
    return jnp.take(weight, token_ids, axis=0)

if __name__ == "__main__":
    import jax
    _d = setup_inputs()
    print(jax.jit(kernel)(*tuple(_d.values())))

</pallas_src>

<mosaic_0001>
#map = affine_map<(d0, d1) -> (0, 0)>
#map1 = affine_map<(d0, d1) -> (0, 0, 0)>
module attributes {stable_mosaic.version = 14 : i64} {
  func.func @body(%arg0: i32, %arg1: i32, %arg2: memref<56x16384xi32, #tpu.memory_space<hbm>>, %arg3: memref<1000000x128xf32, #tpu.memory_space<hbm>>, %arg4: memref<16384x56x128xf32, #tpu.memory_space<hbm>>, %arg5: memref<56x512xi32, #tpu.memory_space<vmem>>, %arg6: memref<128x1x128xf32, #tpu.memory_space<vmem>>, %arg7: memref<128x1x128xf32, #tpu.memory_space<vmem>>, %arg8: memref<128x1x128xf32, #tpu.memory_space<vmem>>, %arg9: memref<128x1x128xf32, #tpu.memory_space<vmem>>, %arg10: memref<!tpu.dma_semaphore, #tpu.memory_space<semaphore_mem>>, %arg11: memref<!tpu.dma_semaphore, #tpu.memory_space<semaphore_mem>>, %arg12: memref<!tpu.dma_semaphore, #tpu.memory_space<semaphore_mem>>, %arg13: memref<!tpu.dma_semaphore, #tpu.memory_space<semaphore_mem>>, %arg14: memref<!tpu.dma_semaphore, #tpu.memory_space<semaphore_mem>>, %arg15: memref<!tpu.dma_semaphore, #tpu.memory_space<semaphore_mem>>, %arg16: memref<!tpu.dma_semaphore, #tpu.memory_space<semaphore_mem>>, %arg17: memref<!tpu.dma_semaphore, #tpu.memory_space<semaphore_mem>>) attributes {dimension_semantics = [#tpu.dimension_semantics<core_parallel>, #tpu.dimension_semantics<subcore_parallel>], iteration_bounds = array<i64: 2, 16>, scalar_prefetch = 0 : i64, scratch_operands = 13 : i64, tpu.core_type = #tpu.core_type<sc_vector_subcore>, window_params = [{transform_indices = #map}, {transform_indices = #map}, {transform_indices = #map1}]} {
    %mul3A = arith.constant 2 : i32
    %mul3A_0 = arith.muli %arg1, %mul3A : i32
    %add3A = arith.addi %mul3A_0, %arg0 : i32
    %mul3A_1 = arith.constant 512 : i32
    %mul3A_2 = arith.muli %add3A, %mul3A_1 : i32
    "tpu.region"() ({
      %run_scoped3A = tpu.sem_alloc : memref<!tpu.dma_semaphore, #tpu.memory_space<semaphore_mem>>
      %dma_start3A_291 = arith.constant 0 : i32
      %dma_start3A_292 = tpu.memref_slice %arg2[%dma_start3A_291, %mul3A_2] : memref<56x16384xi32, #tpu.memory_space<hbm>> -> memref<56x512xi32, #tpu.memory_space<hbm>>
      %dma_start3A_293 = arith.constant 0 : i32
      %dma_start3A_294 = tpu.memref_slice %arg2[%dma_start3A_293, %mul3A_2] : memref<56x16384xi32, #tpu.memory_space<hbm>> -> memref<56x512xi32, #tpu.memory_space<hbm>>
      tpu.enqueue_dma source(%dma_start3A_294 : memref<56x512xi32, #tpu.memory_space<hbm>>) target(%arg5 : memref<56x512xi32, #tpu.memory_space<vmem>>) target_semaphore(%run_scoped3A : memref<!tpu.dma_semaphore, #tpu.memory_space<semaphore_mem>>)
      %dma_wait3A_295 = arith.constant 0 : i32
      %dma_wait3A_296 = tpu.memref_slice %arg2[%dma_wait3A_295, %mul3A_2] : memref<56x16384xi32, #tpu.memory_space<hbm>> -> memref<56x512xi32, #tpu.memory_space<hbm>>
      %dma_wait3A_297 = arith.constant 0 : i32
      %dma_wait3A_298 = tpu.memref_slice %arg2[%dma_wait3A_297, %mul3A_2] : memref<56x16384xi32, #tpu.memory_space<hbm>> -> memref<56x512xi32, #tpu.memory_space<hbm>>
      tpu.wait_dma2 semaphore(%run_scoped3A : memref<!tpu.dma_semaphore, #tpu.memory_space<semaphore_mem>>) src(%dma_wait3A_298 : memref<56x512xi32, #tpu.memory_space<hbm>>) dst(%arg5 : memref<56x512xi32, #tpu.memory_space<vmem>>)
      tpu.yield
    }) : () -> ()
    %div3A = arith.constant 0 : i32
    %div3A_3 = arith.constant 4 : i32
    %div3A_4 = arith.divsi %div3A, %div3A_3 : i32
    %rem3A = arith.constant 0 : i32
    %rem3A_5 = arith.constant 4 : i32
    %rem3A_6 = arith.remsi %rem3A, %rem3A_5 : i32
    %mul3A_7 = arith.constant 128 : i32
    %mul3A_8 = arith.muli %rem3A_6, %mul3A_7 : i32
    %dma_start3A = arith.constant 0 : i32
    %dma_start3A_9 = arith.constant 0 : i32
    %dma_start3A_10 = arith.constant 0 : i32
    %dma_start3A_11 = tpu.memref_slice %arg6[%dma_start3A_9, %dma_start3A, %dma_start3A_10] : memref<128x1x128xf32, #tpu.memory_space<vmem>> -> memref<128x1x128xf32, #tpu.memory_space<vmem>>
    %dma_start3A_12 = tpu.memref_squeeze %dma_start3A_11 : memref<128x1x128xf32, #tpu.memory_space<vmem>> -> memref<128x128xf32, #tpu.memory_space<vmem>>
    %dma_start3A_13 = tpu.memref_slice %arg5[%div3A_4, %mul3A_8] : memref<56x512xi32, #tpu.memory_space<vmem>> -> memref<1x128xi32, #tpu.memory_space<vmem>>
    %dma_start3A_14 = tpu.memref_squeeze %dma_start3A_13 : memref<1x128xi32, #tpu.memory_space<vmem>> -> memref<128xi32, #tpu.memory_space<vmem>>
    %dma_start3A_15 = arith.constant 0 : i32
    %dma_start3A_16 = arith.constant 0 : i32
    %dma_start3A_17 = tpu.memref_slice %arg3[%dma_start3A_15, %dma_start3A_16] : memref<1000000x128xf32, #tpu.memory_space<hbm>> -> memref<1000000x128xf32, #tpu.memory_space<hbm>>
    tpu.enqueue_indirect_dma source(%dma_start3A_17 : memref<1000000x128xf32, #tpu.memory_space<hbm>>) target(%dma_start3A_12 : memref<128x128xf32, #tpu.memory_space<vmem>>) offsets(%dma_start3A_14 : memref<128xi32, #tpu.memory_space<vmem>>) semaphore(%arg10 : memref<!tpu.dma_semaphore, #tpu.memory_space<semaphore_mem>>)
    %div3A_18 = arith.constant 1 : i32
    %div3A_19 = arith.constant 4 : i32
    %div3A_20 = arith.divsi %div3A_18, %div3A_19 : i32
    %rem3A_21 = arith.constant 1 : i32
    %rem3A_22 = arith.constant 4 : i32
    %rem3A_23 = arith.remsi %rem3A_21, %rem3A_22 : i32
    %mul3A_24 = arith.constant 128 : i32
    %mul3A_25 = arith.muli %rem3A_23, %mul3A_24 : i32
    %dma_start3A_26 = arith.constant 0 : i32
    %dma_start3A_27 = arith.constant 0 : i32
    %dma_start3A_28 = arith.constant 0 : i32
    %dma_start3A_29 = tpu.memref_slice %arg7[%dma_start3A_27, %dma_start3A_26, %dma_start3A_28] : memref<128x1x128xf32, #tpu.memory_space<vmem>> -> memref<128x1x128xf32, #tpu.memory_space<vmem>>
    %dma_start3A_30 = tpu.memref_squeeze %dma_start3A_29 : memref<128x1x128xf32, #tpu.memory_space<vmem>> -> memref<128x128xf32, #tpu.memory_space<vmem>>
    %dma_start3A_31 = tpu.memref_slice %arg5[%div3A_20, %mul3A_25] : memref<56x512xi32, #tpu.memory_space<vmem>> -> memref<1x128xi32, #tpu.memory_space<vmem>>
    %dma_start3A_32 = tpu.memref_squeeze %dma_start3A_31 : memref<1x128xi32, #tpu.memory_space<vmem>> -> memref<128xi32, #tpu.memory_space<vmem>>
    %dma_start3A_33 = arith.constant 0 : i32
    %dma_start3A_34 = arith.constant 0 : i32
    %dma_start3A_35 = tpu.memref_slice %arg3[%dma_start3A_33, %dma_start3A_34] : memref<1000000x128xf32, #tpu.memory_space<hbm>> -> memref<1000000x128xf32, #tpu.memory_space<hbm>>
    tpu.enqueue_indirect_dma source(%dma_start3A_35 : memref<1000000x128xf32, #tpu.memory_space<hbm>>) target(%dma_start3A_30 : memref<128x128xf32, #tpu.memory_space<vmem>>) offsets(%dma_start3A_32 : memref<128xi32, #tpu.memory_space<vmem>>) semaphore(%arg11 : memref<!tpu.dma_semaphore, #tpu.memory_space<semaphore_mem>>)
    %div3A_36 = arith.constant 2 : i32
    %div3A_37 = arith.constant 4 : i32
    %div3A_38 = arith.divsi %div3A_36, %div3A_37 : i32
    %rem3A_39 = arith.constant 2 : i32
    %rem3A_40 = arith.constant 4 : i32
    %rem3A_41 = arith.remsi %rem3A_39, %rem3A_40 : i32
    %mul3A_42 = arith.constant 128 : i32
    %mul3A_43 = arith.muli %rem3A_41, %mul3A_42 : i32
    %dma_start3A_44 = arith.constant 0 : i32
    %dma_start3A_45 = arith.constant 0 : i32
    %dma_start3A_46 = arith.constant 0 : i32
    %dma_start3A_47 = tpu.memref_slice %arg8[%dma_start3A_45, %dma_start3A_44, %dma_start3A_46] : memref<128x1x128xf32, #tpu.memory_space<vmem>> -> memref<128x1x128xf32, #tpu.memory_space<vmem>>
    %dma_start3A_48 = tpu.memref_squeeze %dma_start3A_47 : memref<128x1x128xf32, #tpu.memory_space<vmem>> -> memref<128x128xf32, #tpu.memory_space<vmem>>
    %dma_start3A_49 = tpu.memref_slice %arg5[%div3A_38, %mul3A_43] : memref<56x512xi32, #tpu.memory_space<vmem>> -> memref<1x128xi32, #tpu.memory_space<vmem>>
    %dma_start3A_50 = tpu.memref_squeeze %dma_start3A_49 : memref<1x128xi32, #tpu.memory_space<vmem>> -> memref<128xi32, #tpu.memory_space<vmem>>
    %dma_start3A_51 = arith.constant 0 : i32
    %dma_start3A_52 = arith.constant 0 : i32
    %dma_start3A_53 = tpu.memref_slice %arg3[%dma_start3A_51, %dma_start3A_52] : memref<1000000x128xf32, #tpu.memory_space<hbm>> -> memref<1000000x128xf32, #tpu.memory_space<hbm>>
    tpu.enqueue_indirect_dma source(%dma_start3A_53 : memref<1000000x128xf32, #tpu.memory_space<hbm>>) target(%dma_start3A_48 : memref<128x128xf32, #tpu.memory_space<vmem>>) offsets(%dma_start3A_50 : memref<128xi32, #tpu.memory_space<vmem>>) semaphore(%arg12 : memref<!tpu.dma_semaphore, #tpu.memory_space<semaphore_mem>>)
    %div3A_54 = arith.constant 3 : i32
    %div3A_55 = arith.constant 4 : i32
    %div3A_56 = arith.divsi %div3A_54, %div3A_55 : i32
    %rem3A_57 = arith.constant 3 : i32
    %rem3A_58 = arith.constant 4 : i32
    %rem3A_59 = arith.remsi %rem3A_57, %rem3A_58 : i32
    %mul3A_60 = arith.constant 128 : i32
    %mul3A_61 = arith.muli %rem3A_59, %mul3A_60 : i32
    %dma_start3A_62 = arith.constant 0 : i32
    %dma_start3A_63 = arith.constant 0 : i32
    %dma_start3A_64 = arith.constant 0 : i32
    %dma_start3A_65 = tpu.memref_slice %arg9[%dma_start3A_63, %dma_start3A_62, %dma_start3A_64] : memref<128x1x128xf32, #tpu.memory_space<vmem>> -> memref<128x1x128xf32, #tpu.memory_space<vmem>>
    %dma_start3A_66 = tpu.memref_squeeze %dma_start3A_65 : memref<128x1x128xf32, #tpu.memory_space<vmem>> -> memref<128x128xf32, #tpu.memory_space<vmem>>
    %dma_start3A_67 = tpu.memref_slice %arg5[%div3A_56, %mul3A_61] : memref<56x512xi32, #tpu.memory_space<vmem>> -> memref<1x128xi32, #tpu.memory_space<vmem>>
    %dma_start3A_68 = tpu.memref_squeeze %dma_start3A_67 : memref<1x128xi32, #tpu.memory_space<vmem>> -> memref<128xi32, #tpu.memory_space<vmem>>
    %dma_start3A_69 = arith.constant 0 : i32
    %dma_start3A_70 = arith.constant 0 : i32
    %dma_start3A_71 = tpu.memref_slice %arg3[%dma_start3A_69, %dma_start3A_70] : memref<1000000x128xf32, #tpu.memory_space<hbm>> -> memref<1000000x128xf32, #tpu.memory_space<hbm>>
    tpu.enqueue_indirect_dma source(%dma_start3A_71 : memref<1000000x128xf32, #tpu.memory_space<hbm>>) target(%dma_start3A_66 : memref<128x128xf32, #tpu.memory_space<vmem>>) offsets(%dma_start3A_68 : memref<128xi32, #tpu.memory_space<vmem>>) semaphore(%arg13 : memref<!tpu.dma_semaphore, #tpu.memory_space<semaphore_mem>>)
    %dma_wait3A = arith.constant 0 : i32
    %dma_wait3A_72 = arith.constant 0 : i32
    %dma_wait3A_73 = arith.constant 0 : i32
    %dma_wait3A_74 = arith.constant 0 : i32
    %dma_wait3A_75 = tpu.memref_slice %arg6[%dma_wait3A_73, %dma_wait3A_72, %dma_wait3A_74] : memref<128x1x128xf32, #tpu.memory_space<vmem>> -> memref<128x1x128xf32, #tpu.memory_space<vmem>>
    %dma_wait3A_76 = tpu.memref_squeeze %dma_wait3A_75 : memref<128x1x128xf32, #tpu.memory_space<vmem>> -> memref<128x128xf32, #tpu.memory_space<vmem>>
    %dma_wait3A_77 = arith.constant 0 : i32
    %dma_wait3A_78 = tpu.memref_slice %arg5[%dma_wait3A, %dma_wait3A_77] : memref<56x512xi32, #tpu.memory_space<vmem>> -> memref<1x128xi32, #tpu.memory_space<vmem>>
    %dma_wait3A_79 = tpu.memref_squeeze %dma_wait3A_78 : memref<1x128xi32, #tpu.memory_space<vmem>> -> memref<128xi32, #tpu.memory_space<vmem>>
    %dma_wait3A_80 = arith.constant 0 : i32
    %dma_wait3A_81 = arith.constant 0 : i32
    %dma_wait3A_82 = tpu.memref_slice %arg3[%dma_wait3A_80, %dma_wait3A_81] : memref<1000000x128xf32, #tpu.memory_space<hbm>> -> memref<1000000x128xf32, #tpu.memory_space<hbm>>
    tpu.wait_indirect_dma semaphore(%arg10 : memref<!tpu.dma_semaphore, #tpu.memory_space<semaphore_mem>>) src(%dma_wait3A_82 : memref<1000000x128xf32, #tpu.memory_space<hbm>>) dst(%dma_wait3A_76 : memref<128x128xf32, #tpu.memory_space<vmem>>)
    %div3A_83 = arith.constant 0 : i32
    %div3A_84 = arith.constant 4 : i32
    %div3A_85 = arith.divsi %div3A_83, %div3A_84 : i32
    %rem3A_86 = arith.constant 0 : i32
    %rem3A_87 = arith.constant 4 : i32
    %rem3A_88 = arith.remsi %rem3A_86, %rem3A_87 : i32
    %mul3A_89 = arith.constant 128 : i32
    %mul3A_90 = arith.muli %rem3A_88, %mul3A_89 : i32
    %add3A_91 = arith.addi %mul3A_2, %mul3A_90 : i32
    %dma_start3A_92 = arith.constant 0 : i32
    %dma_start3A_93 = arith.constant 0 : i32
    %dma_start3A_94 = arith.constant 0 : i32
    %dma_start3A_95 = tpu.memref_slice %arg6[%dma_start3A_92, %dma_start3A_93, %dma_start3A_94] : memref<128x1x128xf32, #tpu.memory_space<vmem>> -> memref<128x1x64xf32, #tpu.memory_space<vmem>>
    %dma_start3A_96 = arith.constant 0 : i32
    %dma_start3A_97 = tpu.memref_slice %arg4[%add3A_91, %div3A_85, %dma_start3A_96] : memref<16384x56x128xf32, #tpu.memory_space<hbm>> -> memref<128x1x64xf32, #tpu.memory_space<hbm>>
    %dma_start3A_98 = arith.constant 0 : i32
    %dma_start3A_99 = tpu.memref_slice %arg4[%add3A_91, %div3A_85, %dma_start3A_98] : memref<16384x56x128xf32, #tpu.memory_space<hbm>> -> memref<128x1x64xf32, #tpu.memory_space<hbm>>
    %dma_start3A_100 = arith.constant 0 : i32
    %dma_start3A_101 = arith.constant 0 : i32
    %dma_start3A_102 = arith.constant 0 : i32
    %dma_start3A_103 = tpu.memref_slice %arg6[%dma_start3A_100, %dma_start3A_101, %dma_start3A_102] : memref<128x1x128xf32, #tpu.memory_space<vmem>> -> memref<128x1x64xf32, #tpu.memory_space<vmem>>
    tpu.enqueue_dma source(%dma_start3A_103 : memref<128x1x64xf32, #tpu.memory_space<vmem>>) target(%dma_start3A_99 : memref<128x1x64xf32, #tpu.memory_space<hbm>>) target_semaphore(%arg14 : memref<!tpu.dma_semaphore, #tpu.memory_space<semaphore_mem>>)
    %scan3A = arith.constant 0 : i32
    %scan3A_104 = arith.constant 49 : i32
    %scan3A_105 = arith.addi %scan3A, %scan3A_104 : i32
    %scan3A_106 = arith.constant 1 : i32
    scf.for %scan3A_291 = %scan3A to %scan3A_105 step %scan3A_106  : i32 {
      %mul3A_292 = arith.constant 4 : i32
      %mul3A_293 = arith.muli %scan3A_291, %mul3A_292 : i32
      %add3A_294 = arith.constant 1 : i32
      %add3A_295 = arith.addi %add3A_294, %mul3A_293 : i32
      %add3A_296 = arith.constant 0 : i32
      %add3A_297 = arith.addi %add3A_295, %add3A_296 : i32
      %sub3A = arith.constant 1 : i32
      %sub3A_298 = arith.subi %add3A_297, %sub3A : i32
      %div3A_299 = arith.constant 4 : i32
      %div3A_300 = arith.divsi %sub3A_298, %div3A_299 : i32
      %rem3A_301 = arith.constant 4 : i32
      %rem3A_302 = arith.remsi %sub3A_298, %rem3A_301 : i32
      %mul3A_303 = arith.constant 128 : i32
      %mul3A_304 = arith.muli %rem3A_302, %mul3A_303 : i32
      %add3A_305 = arith.addi %mul3A_2, %mul3A_304 : i32
      %dma_wait3A_306 = arith.constant 0 : i32
      %dma_wait3A_307 = arith.constant 0 : i32
      %dma_wait3A_308 = arith.constant 0 : i32
      %dma_wait3A_309 = tpu.memref_slice %arg6[%dma_wait3A_306, %dma_wait3A_307, %dma_wait3A_308] : memref<128x1x128xf32, #tpu.memory_space<vmem>> -> memref<128x1x64xf32, #tpu.memory_space<vmem>>
      %dma_wait3A_310 = arith.constant 0 : i32
      %dma_wait3A_311 = tpu.memref_slice %arg4[%add3A_305, %div3A_300, %dma_wait3A_310] : memref<16384x56x128xf32, #tpu.memory_space<hbm>> -> memref<128x1x64xf32, #tpu.memory_space<hbm>>
      %dma_wait3A_312 = arith.constant 0 : i32
      %dma_wait3A_313 = tpu.memref_slice %arg4[%add3A_305, %div3A_300, %dma_wait3A_312] : memref<16384x56x128xf32, #tpu.memory_space<hbm>> -> memref<128x1x64xf32, #tpu.memory_space<hbm>>
      %dma_wait3A_314 = arith.constant 0 : i32
      %dma_wait3A_315 = arith.constant 0 : i32
      %dma_wait3A_316 = arith.constant 0 : i32
      %dma_wait3A_317 = tpu.memref_slice %arg6[%dma_wait3A_314, %dma_wait3A_315, %dma_wait3A_316] : memref<128x1x128xf32, #tpu.memory_space<vmem>> -> memref<128x1x64xf32, #tpu.memory_space<vmem>>
      tpu.wait_dma2 semaphore(%arg14 : memref<!tpu.dma_semaphore, #tpu.memory_space<semaphore_mem>>) src(%dma_wait3A_317 : memref<128x1x64xf32, #tpu.memory_space<vmem>>) dst(%dma_wait3A_313 : memref<128x1x64xf32, #tpu.memory_space<hbm>>)
      %add3A_318 = arith.constant 4 : i32
      %add3A_319 = arith.addi %add3A_297, %add3A_318 : i32
      %sub3A_320 = arith.constant 1 : i32
      %sub3A_321 = arith.subi %add3A_319, %sub3A_320 : i32
      %div3A_322 = arith.constant 4 : i32
      %div3A_323 = arith.divsi %sub3A_321, %div3A_322 : i32
      %rem3A_324 = arith.constant 4 : i32
      %rem3A_325 = arith.remsi %sub3A_321, %rem3A_324 : i32
      %mul3A_326 = arith.constant 128 : i32
      %mul3A_327 = arith.muli %rem3A_325, %mul3A_326 : i32
      %dma_start3A_328 = arith.constant 0 : i32
      %dma_start3A_329 = arith.constant 0 : i32
      %dma_start3A_330 = arith.constant 0 : i32
      %dma_start3A_331 = tpu.memref_slice %arg6[%dma_start3A_329, %dma_start3A_328, %dma_start3A_330] : memref<128x1x128xf32, #tpu.memory_space<vmem>> -> memref<128x1x128xf32, #tpu.memory_space<vmem>>
      %dma_start3A_332 = tpu.memref_squeeze %dma_start3A_331 : memref<128x1x128xf32, #tpu.memory_space<vmem>> -> memref<128x128xf32, #tpu.memory_space<vmem>>
      %dma_start3A_333 = tpu.memref_slice %arg5[%div3A_323, %mul3A_327] : memref<56x512xi32, #tpu.memory_space<vmem>> -> memref<1x128xi32, #tpu.memory_space<vmem>>
      %dma_start3A_334 = tpu.memref_squeeze %dma_start3A_333 : memref<1x128xi32, #tpu.memory_space<vmem>> -> memref<128xi32, #tpu.memory_space<vmem>>
      %dma_start3A_335 = arith.constant 0 : i32
      %dma_start3A_336 = arith.constant 0 : i32
      %dma_start3A_337 = tpu.memref_slice %arg3[%dma_start3A_335, %dma_start3A_336] : memref<1000000x128xf32, #tpu.memory_space<hbm>> -> memref<1000000x128xf32, #tpu.memory_space<hbm>>
      tpu.enqueue_indirect_dma source(%dma_start3A_337 : memref<1000000x128xf32, #tpu.memory_space<hbm>>) target(%dma_start3A_332 : memref<128x128xf32, #tpu.memory_space<vmem>>) offsets(%dma_start3A_334 : memref<128xi32, #tpu.memory_space<vmem>>) semaphore(%arg10 : memref<!tpu.dma_semaphore, #tpu.memory_space<semaphore_mem>>)
      %dma_wait3A_338 = arith.constant 0 : i32
      %dma_wait3A_339 = arith.constant 0 : i32
      %dma_wait3A_340 = arith.constant 0 : i32
      %dma_wait3A_341 = arith.constant 0 : i32
      %dma_wait3A_342 = tpu.memref_slice %arg7[%dma_wait3A_340, %dma_wait3A_339, %dma_wait3A_341] : memref<128x1x128xf32, #tpu.memory_space<vmem>> -> memref<128x1x128xf32, #tpu.memory_space<vmem>>
      %dma_wait3A_343 = tpu.memref_squeeze %dma_wait3A_342 : memref<128x1x128xf32, #tpu.memory_space<vmem>> -> memref<128x128xf32, #tpu.memory_space<vmem>>
      %dma_wait3A_344 = arith.constant 0 : i32
      %dma_wait3A_345 = tpu.memref_slice %arg5[%dma_wait3A_338, %dma_wait3A_344] : memref<56x512xi32, #tpu.memory_space<vmem>> -> memref<1x128xi32, #tpu.memory_space<vmem>>
      %dma_wait3A_346 = tpu.memref_squeeze %dma_wait3A_345 : memref<1x128xi32, #tpu.memory_space<vmem>> -> memref<128xi32, #tpu.memory_space<vmem>>
      %dma_wait3A_347 = arith.constant 0 : i32
      %dma_wait3A_348 = arith.constant 0 : i32
      %dma_wait3A_349 = tpu.memref_slice %arg3[%dma_wait3A_347, %dma_wait3A_348] : memref<1000000x128xf32, #tpu.memory_space<hbm>> -> memref<1000000x128xf32, #tpu.memory_space<hbm>>
      tpu.wait_indirect_dma semaphore(%arg11 : memref<!tpu.dma_semaphore, #tpu.memory_space<semaphore_mem>>) src(%dma_wait3A_349 : memref<1000000x128xf32, #tpu.memory_space<hbm>>) dst(%dma_wait3A_343 : memref<128x128xf32, #tpu.memory_space<vmem>>)
      %div3A_350 = arith.constant 4 : i32
      %div3A_351 = arith.divsi %add3A_297, %div3A_350 : i32
      %rem3A_352 = arith.constant 4 : i32
      %rem3A_353 = arith.remsi %add3A_297, %rem3A_352 : i32
      %mul3A_354 = arith.constant 128 : i32
      %mul3A_355 = arith.muli %rem3A_353, %mul3A_354 : i32
      %add3A_356 = arith.addi %mul3A_2, %mul3A_355 : i32
      %dma_start3A_357 = arith.constant 0 : i32
      %dma_start3A_358 = arith.constant 0 : i32
      %dma_start3A_359 = arith.constant 0 : i32
      %dma_start3A_360 = tpu.memref_slice %arg7[%dma_start3A_357, %dma_start3A_358, %dma_start3A_359] : memref<128x1x128xf32, #tpu.memory_space<vmem>> -> memref<128x1x64xf32, #tpu.memory_space<vmem>>
      %dma_start3A_361 = arith.constant 0 : i32
      %dma_start3A_362 = tpu.memref_slice %arg4[%add3A_356, %div3A_351, %dma_start3A_361] : memref<16384x56x128xf32, #tpu.memory_space<hbm>> -> memref<128x1x64xf32, #tpu.memory_space<hbm>>
      %dma_start3A_363 = arith.constant 0 : i32
      %dma_start3A_364 = tpu.memref_slice %arg4[%add3A_356, %div3A_351, %dma_start3A_363] : memref<16384x56x128xf32, #tpu.memory_space<hbm>> -> memref<128x1x64xf32, #tpu.memory_space<hbm>>
      %dma_start3A_365 = arith.constant 0 : i32
      %dma_start3A_366 = arith.constant 0 : i32
      %dma_start3A_367 = arith.constant 0 : i32
      %dma_start3A_368 = tpu.memref_slice %arg7[%dma_start3A_365, %dma_start3A_366, %dma_start3A_367] : memref<128x1x128xf32, #tpu.memory_space<vmem>> -> memref<128x1x64xf32, #tpu.memory_space<vmem>>
      tpu.enqueue_dma source(%dma_start3A_368 : memref<128x1x64xf32, #tpu.memory_space<vmem>>) target(%dma_start3A_364 : memref<128x1x64xf32, #tpu.memory_space<hbm>>) target_semaphore(%arg15 : memref<!tpu.dma_semaphore, #tpu.memory_space<semaphore_mem>>)
      %add3A_369 = arith.constant 1 : i32
      %add3A_370 = arith.addi %add3A_295, %add3A_369 : i32
      %sub3A_371 = arith.constant 1 : i32
      %sub3A_372 = arith.subi %add3A_370, %sub3A_371 : i32
      %div3A_373 = arith.constant 4 : i32
      %div3A_374 = arith.divsi %sub3A_372, %div3A_373 : i32
      %rem3A_375 = arith.constant 4 : i32
      %rem3A_376 = arith.remsi %sub3A_372, %rem3A_375 : i32
      %mul3A_377 = arith.constant 128 : i32
      %mul3A_378 = arith.muli %rem3A_376, %mul3A_377 : i32
      %add3A_379 = arith.addi %mul3A_2, %mul3A_378 : i32
      %dma_wait3A_380 = arith.constant 0 : i32
      %dma_wait3A_381 = arith.constant 0 : i32
      %dma_wait3A_382 = arith.constant 0 : i32
      %dma_wait3A_383 = tpu.memref_slice %arg7[%dma_wait3A_380, %dma_wait3A_381, %dma_wait3A_382] : memref<128x1x128xf32, #tpu.memory_space<vmem>> -> memref<128x1x64xf32, #tpu.memory_space<vmem>>
      %dma_wait3A_384 = arith.constant 0 : i32
      %dma_wait3A_385 = tpu.memref_slice %arg4[%add3A_379, %div3A_374, %dma_wait3A_384] : memref<16384x56x128xf32, #tpu.memory_space<hbm>> -> memref<128x1x64xf32, #tpu.memory_space<hbm>>
      %dma_wait3A_386 = arith.constant 0 : i32
      %dma_wait3A_387 = tpu.memref_slice %arg4[%add3A_379, %div3A_374, %dma_wait3A_386] : memref<16384x56x128xf32, #tpu.memory_space<hbm>> -> memref<128x1x64xf32, #tpu.memory_space<hbm>>
      %dma_wait3A_388 = arith.constant 0 : i32
      %dma_wait3A_389 = arith.constant 0 : i32
      %dma_wait3A_390 = arith.constant 0 : i32
      %dma_wait3A_391 = tpu.memref_slice %arg7[%dma_wait3A_388, %dma_wait3A_389, %dma_wait3A_390] : memref<128x1x128xf32, #tpu.memory_space<vmem>> -> memref<128x1x64xf32, #tpu.memory_space<vmem>>
      tpu.wait_dma2 semaphore(%arg15 : memref<!tpu.dma_semaphore, #tpu.memory_space<semaphore_mem>>) src(%dma_wait3A_391 : memref<128x1x64xf32, #tpu.memory_space<vmem>>) dst(%dma_wait3A_387 : memref<128x1x64xf32, #tpu.memory_space<hbm>>)
      %add3A_392 = arith.constant 4 : i32
      %add3A_393 = arith.addi %add3A_370, %add3A_392 : i32
      %sub3A_394 = arith.constant 1 : i32
      %sub3A_395 = arith.subi %add3A_393, %sub3A_394 : i32
      %div3A_396 = arith.constant 4 : i32
      %div3A_397 = arith.divsi %sub3A_395, %div3A_396 : i32
      %rem3A_398 = arith.constant 4 : i32
      %rem3A_399 = arith.remsi %sub3A_395, %rem3A_398 : i32
      %mul3A_400 = arith.constant 128 : i32
      %mul3A_401 = arith.muli %rem3A_399, %mul3A_400 : i32
      %dma_start3A_402 = arith.constant 0 : i32
      %dma_start3A_403 = arith.constant 0 : i32
      %dma_start3A_404 = arith.constant 0 : i32
      %dma_start3A_405 = tpu.memref_slice %arg7[%dma_start3A_403, %dma_start3A_402, %dma_start3A_404] : memref<128x1x128xf32, #tpu.memory_space<vmem>> -> memref<128x1x128xf32, #tpu.memory_space<vmem>>
      %dma_start3A_406 = tpu.memref_squeeze %dma_start3A_405 : memref<128x1x128xf32, #tpu.memory_space<vmem>> -> memref<128x128xf32, #tpu.memory_space<vmem>>
      %dma_start3A_407 = tpu.memref_slice %arg5[%div3A_397, %mul3A_401] : memref<56x512xi32, #tpu.memory_space<vmem>> -> memref<1x128xi32, #tpu.memory_space<vmem>>
      %dma_start3A_408 = tpu.memref_squeeze %dma_start3A_407 : memref<1x128xi32, #tpu.memory_space<vmem>> -> memref<128xi32, #tpu.memory_space<vmem>>
      %dma_start3A_409 = arith.constant 0 : i32
      %dma_start3A_410 = arith.constant 0 : i32
      %dma_start3A_411 = tpu.memref_slice %arg3[%dma_start3A_409, %dma_start3A_410] : memref<1000000x128xf32, #tpu.memory_space<hbm>> -> memref<1000000x128xf32, #tpu.memory_space<hbm>>
      tpu.enqueue_indirect_dma source(%dma_start3A_411 : memref<1000000x128xf32, #tpu.memory_space<hbm>>) target(%dma_start3A_406 : memref<128x128xf32, #tpu.memory_space<vmem>>) offsets(%dma_start3A_408 : memref<128xi32, #tpu.memory_space<vmem>>) semaphore(%arg11 : memref<!tpu.dma_semaphore, #tpu.memory_space<semaphore_mem>>)
      %dma_wait3A_412 = arith.constant 0 : i32
      %dma_wait3A_413 = arith.constant 0 : i32
      %dma_wait3A_414 = arith.constant 0 : i32
      %dma_wait3A_415 = arith.constant 0 : i32
      %dma_wait3A_416 = tpu.memref_slice %arg8[%dma_wait3A_414, %dma_wait3A_413, %dma_wait3A_415] : memref<128x1x128xf32, #tpu.memory_space<vmem>> -> memref<128x1x128xf32, #tpu.memory_space<vmem>>
      %dma_wait3A_417 = tpu.memref_squeeze %dma_wait3A_416 : memref<128x1x128xf32, #tpu.memory_space<vmem>> -> memref<128x128xf32, #tpu.memory_space<vmem>>
      %dma_wait3A_418 = arith.constant 0 : i32
      %dma_wait3A_419 = tpu.memref_slice %arg5[%dma_wait3A_412, %dma_wait3A_418] : memref<56x512xi32, #tpu.memory_space<vmem>> -> memref<1x128xi32, #tpu.memory_space<vmem>>
      %dma_wait3A_420 = tpu.memref_squeeze %dma_wait3A_419 : memref<1x128xi32, #tpu.memory_space<vmem>> -> memref<128xi32, #tpu.memory_space<vmem>>
      %dma_wait3A_421 = arith.constant 0 : i32
      %dma_wait3A_422 = arith.constant 0 : i32
      %dma_wait3A_423 = tpu.memref_slice %arg3[%dma_wait3A_421, %dma_wait3A_422] : memref<1000000x128xf32, #tpu.memory_space<hbm>> -> memref<1000000x128xf32, #tpu.memory_space<hbm>>
      tpu.wait_indirect_dma semaphore(%arg12 : memref<!tpu.dma_semaphore, #tpu.memory_space<semaphore_mem>>) src(%dma_wait3A_423 : memref<1000000x128xf32, #tpu.memory_space<hbm>>) dst(%dma_wait3A_417 : memref<128x128xf32, #tpu.memory_space<vmem>>)
      %div3A_424 = arith.constant 4 : i32
      %div3A_425 = arith.divsi %add3A_370, %div3A_424 : i32
      %rem3A_426 = arith.constant 4 : i32
      %rem3A_427 = arith.remsi %add3A_370, %rem3A_426 : i32
      %mul3A_428 = arith.constant 128 : i32
      %mul3A_429 = arith.muli %rem3A_427, %mul3A_428 : i32
      %add3A_430 = arith.addi %mul3A_2, %mul3A_429 : i32
      %dma_start3A_431 = arith.constant 0 : i32
      %dma_start3A_432 = arith.constant 0 : i32
      %dma_start3A_433 = arith.constant 0 : i32
      %dma_start3A_434 = tpu.memref_slice %arg8[%dma_start3A_431, %dma_start3A_432, %dma_start3A_433] : memref<128x1x128xf32, #tpu.memory_space<vmem>> -> memref<128x1x64xf32, #tpu.memory_space<vmem>>
      %dma_start3A_435 = arith.constant 0 : i32
      %dma_start3A_436 = tpu.memref_slice %arg4[%add3A_430, %div3A_425, %dma_start3A_435] : memref<16384x56x128xf32, #tpu.memory_space<hbm>> -> memref<128x1x64xf32, #tpu.memory_space<hbm>>
      %dma_start3A_437 = arith.constant 0 : i32
      %dma_start3A_438 = tpu.memref_slice %arg4[%add3A_430, %div3A_425, %dma_start3A_437] : memref<16384x56x128xf32, #tpu.memory_space<hbm>> -> memref<128x1x64xf32, #tpu.memory_space<hbm>>
      %dma_start3A_439 = arith.constant 0 : i32
      %dma_start3A_440 = arith.constant 0 : i32
      %dma_start3A_441 = arith.constant 0 : i32
      %dma_start3A_442 = tpu.memref_slice %arg8[%dma_start3A_439, %dma_start3A_440, %dma_start3A_441] : memref<128x1x128xf32, #tpu.memory_space<vmem>> -> memref<128x1x64xf32, #tpu.memory_space<vmem>>
      tpu.enqueue_dma source(%dma_start3A_442 : memref<128x1x64xf32, #tpu.memory_space<vmem>>) target(%dma_start3A_438 : memref<128x1x64xf32, #tpu.memory_space<hbm>>) target_semaphore(%arg16 : memref<!tpu.dma_semaphore, #tpu.memory_space<semaphore_mem>>)
      %add3A_443 = arith.constant 2 : i32
      %add3A_444 = arith.addi %add3A_295, %add3A_443 : i32
      %sub3A_445 = arith.constant 1 : i32
      %sub3A_446 = arith.subi %add3A_444, %sub3A_445 : i32
      %div3A_447 = arith.constant 4 : i32
      %div3A_448 = arith.divsi %sub3A_446, %div3A_447 : i32
      %rem3A_449 = arith.constant 4 : i32
      %rem3A_450 = arith.remsi %sub3A_446, %rem3A_449 : i32
      %mul3A_451 = arith.constant 128 : i32
      %mul3A_452 = arith.muli %rem3A_450, %mul3A_451 : i32
      %add3A_453 = arith.addi %mul3A_2, %mul3A_452 : i32
      %dma_wait3A_454 = arith.constant 0 : i32
      %dma_wait3A_455 = arith.constant 0 : i32
      %dma_wait3A_456 = arith.constant 0 : i32
      %dma_wait3A_457 = tpu.memref_slice %arg8[%dma_wait3A_454, %dma_wait3A_455, %dma_wait3A_456] : memref<128x1x128xf32, #tpu.memory_space<vmem>> -> memref<128x1x64xf32, #tpu.memory_space<vmem>>
      %dma_wait3A_458 = arith.constant 0 : i32
      %dma_wait3A_459 = tpu.memref_slice %arg4[%add3A_453, %div3A_448, %dma_wait3A_458] : memref<16384x56x128xf32, #tpu.memory_space<hbm>> -> memref<128x1x64xf32, #tpu.memory_space<hbm>>
      %dma_wait3A_460 = arith.constant 0 : i32
      %dma_wait3A_461 = tpu.memref_slice %arg4[%add3A_453, %div3A_448, %dma_wait3A_460] : memref<16384x56x128xf32, #tpu.memory_space<hbm>> -> memref<128x1x64xf32, #tpu.memory_space<hbm>>
      %dma_wait3A_462 = arith.constant 0 : i32
      %dma_wait3A_463 = arith.constant 0 : i32
      %dma_wait3A_464 = arith.constant 0 : i32
      %dma_wait3A_465 = tpu.memref_slice %arg8[%dma_wait3A_462, %dma_wait3A_463, %dma_wait3A_464] : memref<128x1x128xf32, #tpu.memory_space<vmem>> -> memref<128x1x64xf32, #tpu.memory_space<vmem>>
      tpu.wait_dma2 semaphore(%arg16 : memref<!tpu.dma_semaphore, #tpu.memory_space<semaphore_mem>>) src(%dma_wait3A_465 : memref<128x1x64xf32, #tpu.memory_space<vmem>>) dst(%dma_wait3A_461 : memref<128x1x64xf32, #tpu.memory_space<hbm>>)
      %add3A_466 = arith.constant 4 : i32
      %add3A_467 = arith.addi %add3A_444, %add3A_466 : i32
      %sub3A_468 = arith.constant 1 : i32
      %sub3A_469 = arith.subi %add3A_467, %sub3A_468 : i32
      %div3A_470 = arith.constant 4 : i32
      %div3A_471 = arith.divsi %sub3A_469, %div3A_470 : i32
      %rem3A_472 = arith.constant 4 : i32
      %rem3A_473 = arith.remsi %sub3A_469, %rem3A_472 : i32
      %mul3A_474 = arith.constant 128 : i32
      %mul3A_475 = arith.muli %rem3A_473, %mul3A_474 : i32
      %dma_start3A_476 = arith.constant 0 : i32
      %dma_start3A_477 = arith.constant 0 : i32
      %dma_start3A_478 = arith.constant 0 : i32
      %dma_start3A_479 = tpu.memref_slice %arg8[%dma_start3A_477, %dma_start3A_476, %dma_start3A_478] : memref<128x1x128xf32, #tpu.memory_space<vmem>> -> memref<128x1x128xf32, #tpu.memory_space<vmem>>
      %dma_start3A_480 = tpu.memref_squeeze %dma_start3A_479 : memref<128x1x128xf32, #tpu.memory_space<vmem>> -> memref<128x128xf32, #tpu.memory_space<vmem>>
      %dma_start3A_481 = tpu.memref_slice %arg5[%div3A_471, %mul3A_475] : memref<56x512xi32, #tpu.memory_space<vmem>> -> memref<1x128xi32, #tpu.memory_space<vmem>>
      %dma_start3A_482 = tpu.memref_squeeze %dma_start3A_481 : memref<1x128xi32, #tpu.memory_space<vmem>> -> memref<128xi32, #tpu.memory_space<vmem>>
      %dma_start3A_483 = arith.constant 0 : i32
      %dma_start3A_484 = arith.constant 0 : i32
      %dma_start3A_485 = tpu.memref_slice %arg3[%dma_start3A_483, %dma_start3A_484] : memref<1000000x128xf32, #tpu.memory_space<hbm>> -> memref<1000000x128xf32, #tpu.memory_space<hbm>>
      tpu.enqueue_indirect_dma source(%dma_start3A_485 : memref<1000000x128xf32, #tpu.memory_space<hbm>>) target(%dma_start3A_480 : memref<128x128xf32, #tpu.memory_space<vmem>>) offsets(%dma_start3A_482 : memref<128xi32, #tpu.memory_space<vmem>>) semaphore(%arg12 : memref<!tpu.dma_semaphore, #tpu.memory_space<semaphore_mem>>)
      %dma_wait3A_486 = arith.constant 0 : i32
      %dma_wait3A_487 = arith.constant 0 : i32
      %dma_wait3A_488 = arith.constant 0 : i32
      %dma_wait3A_489 = arith.constant 0 : i32
      %dma_wait3A_490 = tpu.memref_slice %arg9[%dma_wait3A_488, %dma_wait3A_487, %dma_wait3A_489] : memref<128x1x128xf32, #tpu.memory_space<vmem>> -> memref<128x1x128xf32, #tpu.memory_space<vmem>>
      %dma_wait3A_491 = tpu.memref_squeeze %dma_wait3A_490 : memref<128x1x128xf32, #tpu.memory_space<vmem>> -> memref<128x128xf32, #tpu.memory_space<vmem>>
      %dma_wait3A_492 = arith.constant 0 : i32
      %dma_wait3A_493 = tpu.memref_slice %arg5[%dma_wait3A_486, %dma_wait3A_492] : memref<56x512xi32, #tpu.memory_space<vmem>> -> memref<1x128xi32, #tpu.memory_space<vmem>>
      %dma_wait3A_494 = tpu.memref_squeeze %dma_wait3A_493 : memref<1x128xi32, #tpu.memory_space<vmem>> -> memref<128xi32, #tpu.memory_space<vmem>>
      %dma_wait3A_495 = arith.constant 0 : i32
      %dma_wait3A_496 = arith.constant 0 : i32
      %dma_wait3A_497 = tpu.memref_slice %arg3[%dma_wait3A_495, %dma_wait3A_496] : memref<1000000x128xf32, #tpu.memory_space<hbm>> -> memref<1000000x128xf32, #tpu.memory_space<hbm>>
      tpu.wait_indirect_dma semaphore(%arg13 : memref<!tpu.dma_semaphore, #tpu.memory_space<semaphore_mem>>) src(%dma_wait3A_497 : memref<1000000x128xf32, #tpu.memory_space<hbm>>) dst(%dma_wait3A_491 : memref<128x128xf32, #tpu.memory_space<vmem>>)
      %div3A_498 = arith.constant 4 : i32
      %div3A_499 = arith.divsi %add3A_444, %div3A_498 : i32
      %rem3A_500 = arith.constant 4 : i32
      %rem3A_501 = arith.remsi %add3A_444, %rem3A_500 : i32
      %mul3A_502 = arith.constant 128 : i32
      %mul3A_503 = arith.muli %rem3A_501, %mul3A_502 : i32
      %add3A_504 = arith.addi %mul3A_2, %mul3A_503 : i32
      %dma_start3A_505 = arith.constant 0 : i32
      %dma_start3A_506 = arith.constant 0 : i32
      %dma_start3A_507 = arith.constant 0 : i32
      %dma_start3A_508 = tpu.memref_slice %arg9[%dma_start3A_505, %dma_start3A_506, %dma_start3A_507] : memref<128x1x128xf32, #tpu.memory_space<vmem>> -> memref<128x1x64xf32, #tpu.memory_space<vmem>>
      %dma_start3A_509 = arith.constant 0 : i32
      %dma_start3A_510 = tpu.memref_slice %arg4[%add3A_504, %div3A_499, %dma_start3A_509] : memref<16384x56x128xf32, #tpu.memory_space<hbm>> -> memref<128x1x64xf32, #tpu.memory_space<hbm>>
      %dma_start3A_511 = arith.constant 0 : i32
      %dma_start3A_512 = tpu.memref_slice %arg4[%add3A_504, %div3A_499, %dma_start3A_511] : memref<16384x56x128xf32, #tpu.memory_space<hbm>> -> memref<128x1x64xf32, #tpu.memory_space<hbm>>
      %dma_start3A_513 = arith.constant 0 : i32
      %dma_start3A_514 = arith.constant 0 : i32
      %dma_start3A_515 = arith.constant 0 : i32
      %dma_start3A_516 = tpu.memref_slice %arg9[%dma_start3A_513, %dma_start3A_514, %dma_start3A_515] : memref<128x1x128xf32, #tpu.memory_space<vmem>> -> memref<128x1x64xf32, #tpu.memory_space<vmem>>
      tpu.enqueue_dma source(%dma_start3A_516 : memref<128x1x64xf32, #tpu.memory_space<vmem>>) target(%dma_start3A_512 : memref<128x1x64xf32, #tpu.memory_space<hbm>>) target_semaphore(%arg17 : memref<!tpu.dma_semaphore, #tpu.memory_space<semaphore_mem>>)
      %add3A_517 = arith.constant 3 : i32
      %add3A_518 = arith.addi %add3A_295, %add3A_517 : i32
      %sub3A_519 = arith.constant 1 : i32
      %sub3A_520 = arith.subi %add3A_518, %sub3A_519 : i32
      %div3A_521 = arith.constant 4 : i32
      %div3A_522 = arith.divsi %sub3A_520, %div3A_521 : i32
      %rem3A_523 = arith.constant 4 : i32
      %rem3A_524 = arith.remsi %sub3A_520, %rem3A_523 : i32
      %mul3A_525 = arith.constant 128 : i32
      %mul3A_526 = arith.muli %rem3A_524, %mul3A_525 : i32
      %add3A_527 = arith.addi %mul3A_2, %mul3A_526 : i32
      %dma_wait3A_528 = arith.constant 0 : i32
      %dma_wait3A_529 = arith.constant 0 : i32
      %dma_wait3A_530 = arith.constant 0 : i32
      %dma_wait3A_531 = tpu.memref_slice %arg9[%dma_wait3A_528, %dma_wait3A_529, %dma_wait3A_530] : memref<128x1x128xf32, #tpu.memory_space<vmem>> -> memref<128x1x64xf32, #tpu.memory_space<vmem>>
      %dma_wait3A_532 = arith.constant 0 : i32
      %dma_wait3A_533 = tpu.memref_slice %arg4[%add3A_527, %div3A_522, %dma_wait3A_532] : memref<16384x56x128xf32, #tpu.memory_space<hbm>> -> memref<128x1x64xf32, #tpu.memory_space<hbm>>
      %dma_wait3A_534 = arith.constant 0 : i32
      %dma_wait3A_535 = tpu.memref_slice %arg4[%add3A_527, %div3A_522, %dma_wait3A_534] : memref<16384x56x128xf32, #tpu.memory_space<hbm>> -> memref<128x1x64xf32, #tpu.memory_space<hbm>>
      %dma_wait3A_536 = arith.constant 0 : i32
      %dma_wait3A_537 = arith.constant 0 : i32
      %dma_wait3A_538 = arith.constant 0 : i32
      %dma_wait3A_539 = tpu.memref_slice %arg9[%dma_wait3A_536, %dma_wait3A_537, %dma_wait3A_538] : memref<128x1x128xf32, #tpu.memory_space<vmem>> -> memref<128x1x64xf32, #tpu.memory_space<vmem>>
      tpu.wait_dma2 semaphore(%arg17 : memref<!tpu.dma_semaphore, #tpu.memory_space<semaphore_mem>>) src(%dma_wait3A_539 : memref<128x1x64xf32, #tpu.memory_space<vmem>>) dst(%dma_wait3A_535 : memref<128x1x64xf32, #tpu.memory_space<hbm>>)
      %add3A_540 = arith.constant 4 : i32
      %add3A_541 = arith.addi %add3A_518, %add3A_540 : i32
      %sub3A_542 = arith.constant 1 : i32
      %sub3A_543 = arith.subi %add3A_541, %sub3A_542 : i32
      %div3A_544 = arith.constant 4 : i32
      %div3A_545 = arith.divsi %sub3A_543, %div3A_544 : i32
      %rem3A_546 = arith.constant 4 : i32
      %rem3A_547 = arith.remsi %sub3A_543, %rem3A_546 : i32
      %mul3A_548 = arith.constant 128 : i32
      %mul3A_549 = arith.muli %rem3A_547, %mul3A_548 : i32
      %dma_start3A_550 = arith.constant 0 : i32
      %dma_start3A_551 = arith.constant 0 : i32
      %dma_start3A_552 = arith.constant 0 : i32
      %dma_start3A_553 = tpu.memref_slice %arg9[%dma_start3A_551, %dma_start3A_550, %dma_start3A_552] : memref<128x1x128xf32, #tpu.memory_space<vmem>> -> memref<128x1x128xf32, #tpu.memory_space<vmem>>
      %dma_start3A_554 = tpu.memref_squeeze %dma_start3A_553 : memref<128x1x128xf32, #tpu.memory_space<vmem>> -> memref<128x128xf32, #tpu.memory_space<vmem>>
      %dma_start3A_555 = tpu.memref_slice %arg5[%div3A_545, %mul3A_549] : memref<56x512xi32, #tpu.memory_space<vmem>> -> memref<1x128xi32, #tpu.memory_space<vmem>>
      %dma_start3A_556 = tpu.memref_squeeze %dma_start3A_555 : memref<1x128xi32, #tpu.memory_space<vmem>> -> memref<128xi32, #tpu.memory_space<vmem>>
      %dma_start3A_557 = arith.constant 0 : i32
      %dma_start3A_558 = arith.constant 0 : i32
      %dma_start3A_559 = tpu.memref_slice %arg3[%dma_start3A_557, %dma_start3A_558] : memref<1000000x128xf32, #tpu.memory_space<hbm>> -> memref<1000000x128xf32, #tpu.memory_space<hbm>>
      tpu.enqueue_indirect_dma source(%dma_start3A_559 : memref<1000000x128xf32, #tpu.memory_space<hbm>>) target(%dma_start3A_554 : memref<128x128xf32, #tpu.memory_space<vmem>>) offsets(%dma_start3A_556 : memref<128xi32, #tpu.memory_space<vmem>>) semaphore(%arg13 : memref<!tpu.dma_semaphore, #tpu.memory_space<semaphore_mem>>)
      %dma_wait3A_560 = arith.constant 0 : i32
      %dma_wait3A_561 = arith.constant 0 : i32
      %dma_wait3A_562 = arith.constant 0 : i32
      %dma_wait3A_563 = arith.constant 0 : i32
      %dma_wait3A_564 = tpu.memref_slice %arg6[%dma_wait3A_562, %dma_wait3A_561, %dma_wait3A_563] : memref<128x1x128xf32, #tpu.memory_space<vmem>> -> memref<128x1x128xf32, #tpu.memory_space<vmem>>
      %dma_wait3A_565 = tpu.memref_squeeze %dma_wait3A_564 : memref<128x1x128xf32, #tpu.memory_space<vmem>> -> memref<128x128xf32, #tpu.memory_space<vmem>>
      %dma_wait3A_566 = arith.constant 0 : i32
      %dma_wait3A_567 = tpu.memref_slice %arg5[%dma_wait3A_560, %dma_wait3A_566] : memref<56x512xi32, #tpu.memory_space<vmem>> -> memref<1x128xi32, #tpu.memory_space<vmem>>
      %dma_wait3A_568 = tpu.memref_squeeze %dma_wait3A_567 : memref<1x128xi32, #tpu.memory_space<vmem>> -> memref<128xi32, #tpu.memory_space<vmem>>
      %dma_wait3A_569 = arith.constant 0 : i32
      %dma_wait3A_570 = arith.constant 0 : i32
      %dma_wait3A_571 = tpu.memref_slice %arg3[%dma_wait3A_569, %dma_wait3A_570] : memref<1000000x128xf32, #tpu.memory_space<hbm>> -> memref<1000000x128xf32, #tpu.memory_space<hbm>>
      tpu.wait_indirect_dma semaphore(%arg10 : memref<!tpu.dma_semaphore, #tpu.memory_space<semaphore_mem>>) src(%dma_wait3A_571 : memref<1000000x128xf32, #tpu.memory_space<hbm>>) dst(%dma_wait3A_565 : memref<128x128xf32, #tpu.memory_space<vmem>>)
      %div3A_572 = arith.constant 4 : i32
      %div3A_573 = arith.divsi %add3A_518, %div3A_572 : i32
      %rem3A_574 = arith.constant 4 : i32
      %rem3A_575 = arith.remsi %add3A_518, %rem3A_574 : i32
      %mul3A_576 = arith.constant 128 : i32
      %mul3A_577 = arith.muli %rem3A_575, %mul3A_576 : i32
      %add3A_578 = arith.addi %mul3A_2, %mul3A_577 : i32
      %dma_start3A_579 = arith.constant 0 : i32
      %dma_start3A_580 = arith.constant 0 : i32
      %dma_start3A_581 = arith.constant 0 : i32
      %dma_start3A_582 = tpu.memref_slice %arg6[%dma_start3A_579, %dma_start3A_580, %dma_start3A_581] : memref<128x1x128xf32, #tpu.memory_space<vmem>> -> memref<128x1x64xf32, #tpu.memory_space<vmem>>
      %dma_start3A_583 = arith.constant 0 : i32
      %dma_start3A_584 = tpu.memref_slice %arg4[%add3A_578, %div3A_573, %dma_start3A_583] : memref<16384x56x128xf32, #tpu.memory_space<hbm>> -> memref<128x1x64xf32, #tpu.memory_space<hbm>>
      %dma_start3A_585 = arith.constant 0 : i32
      %dma_start3A_586 = tpu.memref_slice %arg4[%add3A_578, %div3A_573, %dma_start3A_585] : memref<16384x56x128xf32, #tpu.memory_space<hbm>> -> memref<128x1x64xf32, #tpu.memory_space<hbm>>
      %dma_start3A_587 = arith.constant 0 : i32
      %dma_start3A_588 = arith.constant 0 : i32
      %dma_start3A_589 = arith.constant 0 : i32
      %dma_start3A_590 = tpu.memref_slice %arg6[%dma_start3A_587, %dma_start3A_588, %dma_start3A_589] : memref<128x1x128xf32, #tpu.memory_space<vmem>> -> memref<128x1x64xf32, #tpu.memory_space<vmem>>
      tpu.enqueue_dma source(%dma_start3A_590 : memref<128x1x64xf32, #tpu.memory_space<vmem>>) target(%dma_start3A_586 : memref<128x1x64xf32, #tpu.memory_space<hbm>>) target_semaphore(%arg14 : memref<!tpu.dma_semaphore, #tpu.memory_space<semaphore_mem>>)
    }
    %scan3A_107 = arith.constant 49 : i32
    %dma_wait3A_108 = arith.constant 0 : i32
    %dma_wait3A_109 = arith.constant 0 : i32
    %dma_wait3A_110 = arith.constant 0 : i32
    %dma_wait3A_111 = arith.constant 0 : i32
    %dma_wait3A_112 = tpu.memref_slice %arg7[%dma_wait3A_110, %dma_wait3A_109, %dma_wait3A_111] : memref<128x1x128xf32, #tpu.memory_space<vmem>> -> memref<128x1x128xf32, #tpu.memory_space<vmem>>
    %dma_wait3A_113 = tpu.memref_squeeze %dma_wait3A_112 : memref<128x1x128xf32, #tpu.memory_space<vmem>> -> memref<128x128xf32, #tpu.memory_space<vmem>>
    %dma_wait3A_114 = arith.constant 0 : i32
    %dma_wait3A_115 = tpu.memref_slice %arg5[%dma_wait3A_108, %dma_wait3A_114] : memref<56x512xi32, #tpu.memory_space<vmem>> -> memref<1x128xi32, #tpu.memory_space<vmem>>
    %dma_wait3A_116 = tpu.memref_squeeze %dma_wait3A_115 : memref<1x128xi32, #tpu.memory_space<vmem>> -> memref<128xi32, #tpu.memory_space<vmem>>
    %dma_wait3A_117 = arith.constant 0 : i32
    %dma_wait3A_118 = arith.constant 0 : i32
    %dma_wait3A_119 = tpu.memref_slice %arg3[%dma_wait3A_117, %dma_wait3A_118] : memref<1000000x128xf32, #tpu.memory_space<hbm>> -> memref<1000000x128xf32, #tpu.memory_space<hbm>>
    tpu.wait_indirect_dma semaphore(%arg11 : memref<!tpu.dma_semaphore, #tpu.memory_space<semaphore_mem>>) src(%dma_wait3A_119 : memref<1000000x128xf32, #tpu.memory_space<hbm>>) dst(%dma_wait3A_113 : memref<128x128xf32, #tpu.memory_space<vmem>>)
    %div3A_120 = arith.constant 197 : i32
    %div3A_121 = arith.constant 4 : i32
    %div3A_122 = arith.divsi %div3A_120, %div3A_121 : i32
    %rem3A_123 = arith.constant 197 : i32
    %rem3A_124 = arith.constant 4 : i32
    %rem3A_125 = arith.remsi %rem3A_123, %rem3A_124 : i32
    %mul3A_126 = arith.constant 128 : i32
    %mul3A_127 = arith.muli %rem3A_125, %mul3A_126 : i32
    %add3A_128 = arith.addi %mul3A_2, %mul3A_127 : i32
    %dma_start3A_129 = arith.constant 0 : i32
    %dma_start3A_130 = arith.constant 0 : i32
    %dma_start3A_131 = arith.constant 0 : i32
    %dma_start3A_132 = tpu.memref_slice %arg7[%dma_start3A_129, %dma_start3A_130, %dma_start3A_131] : memref<128x1x128xf32, #tpu.memory_space<vmem>> -> memref<128x1x64xf32, #tpu.memory_space<vmem>>
    %dma_start3A_133 = arith.constant 0 : i32
    %dma_start3A_134 = tpu.memref_slice %arg4[%add3A_128, %div3A_122, %dma_start3A_133] : memref<16384x56x128xf32, #tpu.memory_space<hbm>> -> memref<128x1x64xf32, #tpu.memory_space<hbm>>
    %dma_start3A_135 = arith.constant 0 : i32
    %dma_start3A_136 = tpu.memref_slice %arg4[%add3A_128, %div3A_122, %dma_start3A_135] : memref<16384x56x128xf32, #tpu.memory_space<hbm>> -> memref<128x1x64xf32, #tpu.memory_space<hbm>>
    %dma_start3A_137 = arith.constant 0 : i32
    %dma_start3A_138 = arith.constant 0 : i32
    %dma_start3A_139 = arith.constant 0 : i32
    %dma_start3A_140 = tpu.memref_slice %arg7[%dma_start3A_137, %dma_start3A_138, %dma_start3A_139] : memref<128x1x128xf32, #tpu.memory_space<vmem>> -> memref<128x1x64xf32, #tpu.memory_space<vmem>>
    tpu.enqueue_dma source(%dma_start3A_140 : memref<128x1x64xf32, #tpu.memory_space<vmem>>) target(%dma_start3A_136 : memref<128x1x64xf32, #tpu.memory_space<hbm>>) target_semaphore(%arg15 : memref<!tpu.dma_semaphore, #tpu.memory_space<semaphore_mem>>)
    %dma_wait3A_141 = arith.constant 0 : i32
    %dma_wait3A_142 = arith.constant 0 : i32
    %dma_wait3A_143 = arith.constant 0 : i32
    %dma_wait3A_144 = arith.constant 0 : i32
    %dma_wait3A_145 = tpu.memref_slice %arg8[%dma_wait3A_143, %dma_wait3A_142, %dma_wait3A_144] : memref<128x1x128xf32, #tpu.memory_space<vmem>> -> memref<128x1x128xf32, #tpu.memory_space<vmem>>
    %dma_wait3A_146 = tpu.memref_squeeze %dma_wait3A_145 : memref<128x1x128xf32, #tpu.memory_space<vmem>> -> memref<128x128xf32, #tpu.memory_space<vmem>>
    %dma_wait3A_147 = arith.constant 0 : i32
    %dma_wait3A_148 = tpu.memref_slice %arg5[%dma_wait3A_141, %dma_wait3A_147] : memref<56x512xi32, #tpu.memory_space<vmem>> -> memref<1x128xi32, #tpu.memory_space<vmem>>
    %dma_wait3A_149 = tpu.memref_squeeze %dma_wait3A_148 : memref<1x128xi32, #tpu.memory_space<vmem>> -> memref<128xi32, #tpu.memory_space<vmem>>
    %dma_wait3A_150 = arith.constant 0 : i32
    %dma_wait3A_151 = arith.constant 0 : i32
    %dma_wait3A_152 = tpu.memref_slice %arg3[%dma_wait3A_150, %dma_wait3A_151] : memref<1000000x128xf32, #tpu.memory_space<hbm>> -> memref<1000000x128xf32, #tpu.memory_space<hbm>>
    tpu.wait_indirect_dma semaphore(%arg12 : memref<!tpu.dma_semaphore, #tpu.memory_space<semaphore_mem>>) src(%dma_wait3A_152 : memref<1000000x128xf32, #tpu.memory_space<hbm>>) dst(%dma_wait3A_146 : memref<128x128xf32, #tpu.memory_space<vmem>>)
    %div3A_153 = arith.constant 198 : i32
    %div3A_154 = arith.constant 4 : i32
    %div3A_155 = arith.divsi %div3A_153, %div3A_154 : i32
    %rem3A_156 = arith.constant 198 : i32
    %rem3A_157 = arith.constant 4 : i32
    %rem3A_158 = arith.remsi %rem3A_156, %rem3A_157 : i32
    %mul3A_159 = arith.constant 128 : i32
    %mul3A_160 = arith.muli %rem3A_158, %mul3A_159 : i32
    %add3A_161 = arith.addi %mul3A_2, %mul3A_160 : i32
    %dma_start3A_162 = arith.constant 0 : i32
    %dma_start3A_163 = arith.constant 0 : i32
    %dma_start3A_164 = arith.constant 0 : i32
    %dma_start3A_165 = tpu.memref_slice %arg8[%dma_start3A_162, %dma_start3A_163, %dma_start3A_164] : memref<128x1x128xf32, #tpu.memory_space<vmem>> -> memref<128x1x64xf32, #tpu.memory_space<vmem>>
    %dma_start3A_166 = arith.constant 0 : i32
    %dma_start3A_167 = tpu.memref_slice %arg4[%add3A_161, %div3A_155, %dma_start3A_166] : memref<16384x56x128xf32, #tpu.memory_space<hbm>> -> memref<128x1x64xf32, #tpu.memory_space<hbm>>
    %dma_start3A_168 = arith.constant 0 : i32
    %dma_start3A_169 = tpu.memref_slice %arg4[%add3A_161, %div3A_155, %dma_start3A_168] : memref<16384x56x128xf32, #tpu.memory_space<hbm>> -> memref<128x1x64xf32, #tpu.memory_space<hbm>>
    %dma_start3A_170 = arith.constant 0 : i32
    %dma_start3A_171 = arith.constant 0 : i32
    %dma_start3A_172 = arith.constant 0 : i32
    %dma_start3A_173 = tpu.memref_slice %arg8[%dma_start3A_170, %dma_start3A_171, %dma_start3A_172] : memref<128x1x128xf32, #tpu.memory_space<vmem>> -> memref<128x1x64xf32, #tpu.memory_space<vmem>>
    tpu.enqueue_dma source(%dma_start3A_173 : memref<128x1x64xf32, #tpu.memory_space<vmem>>) target(%dma_start3A_169 : memref<128x1x64xf32, #tpu.memory_space<hbm>>) target_semaphore(%arg16 : memref<!tpu.dma_semaphore, #tpu.memory_space<semaphore_mem>>)
    %dma_wait3A_174 = arith.constant 0 : i32
    %dma_wait3A_175 = arith.constant 0 : i32
    %dma_wait3A_176 = arith.constant 0 : i32
    %dma_wait3A_177 = arith.constant 0 : i32
    %dma_wait3A_178 = tpu.memref_slice %arg9[%dma_wait3A_176, %dma_wait3A_175, %dma_wait3A_177] : memref<128x1x128xf32, #tpu.memory_space<vmem>> -> memref<128x1x128xf32, #tpu.memory_space<vmem>>
    %dma_wait3A_179 = tpu.memref_squeeze %dma_wait3A_178 : memref<128x1x128xf32, #tpu.memory_space<vmem>> -> memref<128x128xf32, #tpu.memory_space<vmem>>
    %dma_wait3A_180 = arith.constant 0 : i32
    %dma_wait3A_181 = tpu.memref_slice %arg5[%dma_wait3A_174, %dma_wait3A_180] : memref<56x512xi32, #tpu.memory_space<vmem>> -> memref<1x128xi32, #tpu.memory_space<vmem>>
    %dma_wait3A_182 = tpu.memref_squeeze %dma_wait3A_181 : memref<1x128xi32, #tpu.memory_space<vmem>> -> memref<128xi32, #tpu.memory_space<vmem>>
    %dma_wait3A_183 = arith.constant 0 : i32
    %dma_wait3A_184 = arith.constant 0 : i32
    %dma_wait3A_185 = tpu.memref_slice %arg3[%dma_wait3A_183, %dma_wait3A_184] : memref<1000000x128xf32, #tpu.memory_space<hbm>> -> memref<1000000x128xf32, #tpu.memory_space<hbm>>
    tpu.wait_indirect_dma semaphore(%arg13 : memref<!tpu.dma_semaphore, #tpu.memory_space<semaphore_mem>>) src(%dma_wait3A_185 : memref<1000000x128xf32, #tpu.memory_space<hbm>>) dst(%dma_wait3A_179 : memref<128x128xf32, #tpu.memory_space<vmem>>)
    %div3A_186 = arith.constant 199 : i32
    %div3A_187 = arith.constant 4 : i32
    %div3A_188 = arith.divsi %div3A_186, %div3A_187 : i32
    %rem3A_189 = arith.constant 199 : i32
    %rem3A_190 = arith.constant 4 : i32
    %rem3A_191 = arith.remsi %rem3A_189, %rem3A_190 : i32
    %mul3A_192 = arith.constant 128 : i32
    %mul3A_193 = arith.muli %rem3A_191, %mul3A_192 : i32
    %add3A_194 = arith.addi %mul3A_2, %mul3A_193 : i32
    %dma_start3A_195 = arith.constant 0 : i32
    %dma_start3A_196 = arith.constant 0 : i32
    %dma_start3A_197 = arith.constant 0 : i32
    %dma_start3A_198 = tpu.memref_slice %arg9[%dma_start3A_195, %dma_start3A_196, %dma_start3A_197] : memref<128x1x128xf32, #tpu.memory_space<vmem>> -> memref<128x1x64xf32, #tpu.memory_space<vmem>>
    %dma_start3A_199 = arith.constant 0 : i32
    %dma_start3A_200 = tpu.memref_slice %arg4[%add3A_194, %div3A_188, %dma_start3A_199] : memref<16384x56x128xf32, #tpu.memory_space<hbm>> -> memref<128x1x64xf32, #tpu.memory_space<hbm>>
    %dma_start3A_201 = arith.constant 0 : i32
    %dma_start3A_202 = tpu.memref_slice %arg4[%add3A_194, %div3A_188, %dma_start3A_201] : memref<16384x56x128xf32, #tpu.memory_space<hbm>> -> memref<128x1x64xf32, #tpu.memory_space<hbm>>
    %dma_start3A_203 = arith.constant 0 : i32
    %dma_start3A_204 = arith.constant 0 : i32
    %dma_start3A_205 = arith.constant 0 : i32
    %dma_start3A_206 = tpu.memref_slice %arg9[%dma_start3A_203, %dma_start3A_204, %dma_start3A_205] : memref<128x1x128xf32, #tpu.memory_space<vmem>> -> memref<128x1x64xf32, #tpu.memory_space<vmem>>
    tpu.enqueue_dma source(%dma_start3A_206 : memref<128x1x64xf32, #tpu.memory_space<vmem>>) target(%dma_start3A_202 : memref<128x1x64xf32, #tpu.memory_space<hbm>>) target_semaphore(%arg17 : memref<!tpu.dma_semaphore, #tpu.memory_space<semaphore_mem>>)
    %div3A_207 = arith.constant 196 : i32
    %div3A_208 = arith.constant 4 : i32
    %div3A_209 = arith.divsi %div3A_207, %div3A_208 : i32
    %rem3A_210 = arith.constant 196 : i32
    %rem3A_211 = arith.constant 4 : i32
    %rem3A_212 = arith.remsi %rem3A_210, %rem3A_211 : i32
    %mul3A_213 = arith.constant 128 : i32
    %mul3A_214 = arith.muli %rem3A_212, %mul3A_213 : i32
    %add3A_215 = arith.addi %mul3A_2, %mul3A_214 : i32
    %dma_wait3A_216 = arith.constant 0 : i32
    %dma_wait3A_217 = arith.constant 0 : i32
    %dma_wait3A_218 = arith.constant 0 : i32
    %dma_wait3A_219 = tpu.memref_slice %arg6[%dma_wait3A_216, %dma_wait3A_217, %dma_wait3A_218] : memref<128x1x128xf32, #tpu.memory_space<vmem>> -> memref<128x1x64xf32, #tpu.memory_space<vmem>>
    %dma_wait3A_220 = arith.constant 0 : i32
    %dma_wait3A_221 = tpu.memref_slice %arg4[%add3A_215, %div3A_209, %dma_wait3A_220] : memref<16384x56x128xf32, #tpu.memory_space<hbm>> -> memref<128x1x64xf32, #tpu.memory_space<hbm>>
    %dma_wait3A_222 = arith.constant 0 : i32
    %dma_wait3A_223 = tpu.memref_slice %arg4[%add3A_215, %div3A_209, %dma_wait3A_222] : memref<16384x56x128xf32, #tpu.memory_space<hbm>> -> memref<128x1x64xf32, #tpu.memory_space<hbm>>
    %dma_wait3A_224 = arith.constant 0 : i32
    %dma_wait3A_225 = arith.constant 0 : i32
    %dma_wait3A_226 = arith.constant 0 : i32
    %dma_wait3A_227 = tpu.memref_slice %arg6[%dma_wait3A_224, %dma_wait3A_225, %dma_wait3A_226] : memref<128x1x128xf32, #tpu.memory_space<vmem>> -> memref<128x1x64xf32, #tpu.memory_space<vmem>>
    tpu.wait_dma2 semaphore(%arg14 : memref<!tpu.dma_semaphore, #tpu.memory_space<semaphore_mem>>) src(%dma_wait3A_227 : memref<128x1x64xf32, #tpu.memory_space<vmem>>) dst(%dma_wait3A_223 : memref<128x1x64xf32, #tpu.memory_space<hbm>>)
    %div3A_228 = arith.constant 197 : i32
    %div3A_229 = arith.constant 4 : i32
    %div3A_230 = arith.divsi %div3A_228, %div3A_229 : i32
    %rem3A_231 = arith.constant 197 : i32
    %rem3A_232 = arith.constant 4 : i32
    %rem3A_233 = arith.remsi %rem3A_231, %rem3A_232 : i32
    %mul3A_234 = arith.constant 128 : i32
    %mul3A_235 = arith.muli %rem3A_233, %mul3A_234 : i32
    %add3A_236 = arith.addi %mul3A_2, %mul3A_235 : i32
    %dma_wait3A_237 = arith.constant 0 : i32
    %dma_wait3A_238 = arith.constant 0 : i32
    %dma_wait3A_239 = arith.constant 0 : i32
    %dma_wait3A_240 = tpu.memref_slice %arg7[%dma_wait3A_237, %dma_wait3A_238, %dma_wait3A_239] : memref<128x1x128xf32, #tpu.memory_space<vmem>> -> memref<128x1x64xf32, #tpu.memory_space<vmem>>
    %dma_wait3A_241 = arith.constant 0 : i32
    %dma_wait3A_242 = tpu.memref_slice %arg4[%add3A_236, %div3A_230, %dma_wait3A_241] : memref<16384x56x128xf32, #tpu.memory_space<hbm>> -> memref<128x1x64xf32, #tpu.memory_space<hbm>>
    %dma_wait3A_243 = arith.constant 0 : i32
    %dma_wait3A_244 = tpu.memref_slice %arg4[%add3A_236, %div3A_230, %dma_wait3A_243] : memref<16384x56x128xf32, #tpu.memory_space<hbm>> -> memref<128x1x64xf32, #tpu.memory_space<hbm>>
    %dma_wait3A_245 = arith.constant 0 : i32
    %dma_wait3A_246 = arith.constant 0 : i32
    %dma_wait3A_247 = arith.constant 0 : i32
    %dma_wait3A_248 = tpu.memref_slice %arg7[%dma_wait3A_245, %dma_wait3A_246, %dma_wait3A_247] : memref<128x1x128xf32, #tpu.memory_space<vmem>> -> memref<128x1x64xf32, #tpu.memory_space<vmem>>
    tpu.wait_dma2 semaphore(%arg15 : memref<!tpu.dma_semaphore, #tpu.memory_space<semaphore_mem>>) src(%dma_wait3A_248 : memref<128x1x64xf32, #tpu.memory_space<vmem>>) dst(%dma_wait3A_244 : memref<128x1x64xf32, #tpu.memory_space<hbm>>)
    %div3A_249 = arith.constant 198 : i32
    %div3A_250 = arith.constant 4 : i32
    %div3A_251 = arith.divsi %div3A_249, %div3A_250 : i32
    %rem3A_252 = arith.constant 198 : i32
    %rem3A_253 = arith.constant 4 : i32
    %rem3A_254 = arith.remsi %rem3A_252, %rem3A_253 : i32
    %mul3A_255 = arith.constant 128 : i32
    %mul3A_256 = arith.muli %rem3A_254, %mul3A_255 : i32
    %add3A_257 = arith.addi %mul3A_2, %mul3A_256 : i32
    %dma_wait3A_258 = arith.constant 0 : i32
    %dma_wait3A_259 = arith.constant 0 : i32
    %dma_wait3A_260 = arith.constant 0 : i32
    %dma_wait3A_261 = tpu.memref_slice %arg8[%dma_wait3A_258, %dma_wait3A_259, %dma_wait3A_260] : memref<128x1x128xf32, #tpu.memory_space<vmem>> -> memref<128x1x64xf32, #tpu.memory_space<vmem>>
    %dma_wait3A_262 = arith.constant 0 : i32
    %dma_wait3A_263 = tpu.memref_slice %arg4[%add3A_257, %div3A_251, %dma_wait3A_262] : memref<16384x56x128xf32, #tpu.memory_space<hbm>> -> memref<128x1x64xf32, #tpu.memory_space<hbm>>
    %dma_wait3A_264 = arith.constant 0 : i32
    %dma_wait3A_265 = tpu.memref_slice %arg4[%add3A_257, %div3A_251, %dma_wait3A_264] : memref<16384x56x128xf32, #tpu.memory_space<hbm>> -> memref<128x1x64xf32, #tpu.memory_space<hbm>>
    %dma_wait3A_266 = arith.constant 0 : i32
    %dma_wait3A_267 = arith.constant 0 : i32
    %dma_wait3A_268 = arith.constant 0 : i32
    %dma_wait3A_269 = tpu.memref_slice %arg8[%dma_wait3A_266, %dma_wait3A_267, %dma_wait3A_268] : memref<128x1x128xf32, #tpu.memory_space<vmem>> -> memref<128x1x64xf32, #tpu.memory_space<vmem>>
    tpu.wait_dma2 semaphore(%arg16 : memref<!tpu.dma_semaphore, #tpu.memory_space<semaphore_mem>>) src(%dma_wait3A_269 : memref<128x1x64xf32, #tpu.memory_space<vmem>>) dst(%dma_wait3A_265 : memref<128x1x64xf32, #tpu.memory_space<hbm>>)
    %div3A_270 = arith.constant 199 : i32
    %div3A_271 = arith.constant 4 : i32
    %div3A_272 = arith.divsi %div3A_270, %div3A_271 : i32
    %rem3A_273 = arith.constant 199 : i32
    %rem3A_274 = arith.constant 4 : i32
    %rem3A_275 = arith.remsi %rem3A_273, %rem3A_274 : i32
    %mul3A_276 = arith.constant 128 : i32
    %mul3A_277 = arith.muli %rem3A_275, %mul3A_276 : i32
    %add3A_278 = arith.addi %mul3A_2, %mul3A_277 : i32
    %dma_wait3A_279 = arith.constant 0 : i32
    %dma_wait3A_280 = arith.constant 0 : i32
    %dma_wait3A_281 = arith.constant 0 : i32
    %dma_wait3A_282 = tpu.memref_slice %arg9[%dma_wait3A_279, %dma_wait3A_280, %dma_wait3A_281] : memref<128x1x128xf32, #tpu.memory_space<vmem>> -> memref<128x1x64xf32, #tpu.memory_space<vmem>>
    %dma_wait3A_283 = arith.constant 0 : i32
    %dma_wait3A_284 = tpu.memref_slice %arg4[%add3A_278, %div3A_272, %dma_wait3A_283] : memref<16384x56x128xf32, #tpu.memory_space<hbm>> -> memref<128x1x64xf32, #tpu.memory_space<hbm>>
    %dma_wait3A_285 = arith.constant 0 : i32
    %dma_wait3A_286 = tpu.memref_slice %arg4[%add3A_278, %div3A_272, %dma_wait3A_285] : memref<16384x56x128xf32, #tpu.memory_space<hbm>> -> memref<128x1x64xf32, #tpu.memory_space<hbm>>
    %dma_wait3A_287 = arith.constant 0 : i32
    %dma_wait3A_288 = arith.constant 0 : i32
    %dma_wait3A_289 = arith.constant 0 : i32
    %dma_wait3A_290 = tpu.memref_slice %arg9[%dma_wait3A_287, %dma_wait3A_288, %dma_wait3A_289] : memref<128x1x128xf32, #tpu.memory_space<vmem>> -> memref<128x1x64xf32, #tpu.memory_space<vmem>>
    tpu.wait_dma2 semaphore(%arg17 : memref<!tpu.dma_semaphore, #tpu.memory_space<semaphore_mem>>) src(%dma_wait3A_290 : memref<128x1x64xf32, #tpu.memory_space<vmem>>) dst(%dma_wait3A_286 : memref<128x1x64xf32, #tpu.memory_space<hbm>>)
    return
  }
}

</mosaic_0001>

<sc_bundles>
// kernel: kernel.3.cloned.1.call-start
scs
__scs_entry_jumppad:
0x0: {  	(pc) =	sbr.rel $0x88, $3  }
0x1: {  	(tag) =	ssettag $0x0;
	lr =	simm.s32 $0x1  }
0x2: {  	[smem:$0x3F9F] =	sst lr;
	_ =	strace $0xD0000000  }
0x3: {  	_ = 	snop  }
0x4: {  	_ = 	snop  }
0x5: {  	_ = 	snop  }
0x6: {  	_ = 	snop  }
0x7: {  	_ = 	snop  }
__scs_overlays_trampoline_lowered:
0x8: {  	[smem:$0x3FAE] =	sst s0  }
0x9: {  	[smem:$0x3FAF] =	sst s1  }
0xa: {  	[smem:$0x3FB0] =	sst s2  }
0xb: {  	[smem:$0x3FB1] =	sst s3  }
0xc: {  	[smem:$0x3FB2] =	sst s4  }
0xd: {  	[smem:$0x3FB3] =	sst s5  }
0xe: {  	[smem:$0x3FB4] =	sst s6  }
0xf: {  	[smem:$0x3FB5] =	sst s7  }
0x10: {  	[smem:$0x3FB6] =	sst s8  }
0x11: {  	[smem:$0x3FB7] =	sst s9;
	s0 =	simm.s32 @!p0 $0x0  }
0x12: {  	s1 =	sld [smem:$0x3F9D];
	s0 =	simm.s32 @p0 $0x1  }
0x13: {  	[smem:$0x3FB8] =	sst s0;
	s0 =	simm.s32 @!p1 $0x0  }
0x14: {  	s2 =	sld [smem:$0x3F9C];
	s0 =	simm.s32 @p1 $0x1  }
0x15: {  	[smem:$0x3FB9] =	sst s0;
	s0 =	simm.s32 @!p2 $0x0  }
0x16: {  	s3 =	sld [smem:$0x3FDB];
	s0 =	simm.s32 @p2 $0x1  }
0x17: {  	s4 =	simm.s32 $0x1BF5;
	[smem:$0x3FBB] =	sst s0  }
0x18: {  	s0 =	sld [smem:$0x3F9E];
	_ =	swait.ge [sflag:s4], $0x0  }
0x19: {  	s7 =	sld [smem:$0x3F9F]  }
0x1a: {  	s8 =	sadd.s32 $0xFFFFE003, lr  }
0x1b: {  	s9 =	sadd.s32 $0xFFFFFEF7, lr;
	s5 =	simm.s32 $0xFFFFFFFF;
	p2 =	slt.u32 s8, $0xFFFFF086  }
0x1c: {  	p1 =	slt.u32 s9, $0xF7A;
	s5 =	simm.s32 @!p2 $0x0  }
0x1d: {  	s5 =	simm.s32 @p1 $0x1;
	p0 =	seq.s32 s7, s2  }
0x1e: {  	s7 =	smul.u32 @!p0 $0xF7A, s2;
	p2 =	seq.s32 @!p0 s5, $0x0  }
0x1f: {  	s9 =	smul.u32 $0xF7A, s1;
	s8 =	simm.s32 @!p0 $0x1BF5;
	p2 =	por !p2, p0  }
0x20: {  	[sflag:s8] =	ssyncset.s32 @!p0 $0xFFFFF086;
	s6 =	sadd.s32 @!p0 s3, s7;
	s7 =	simm.s32 @!p0 $0x108  }
0x21: {  	s3 =	sadd.s32 s3, s9;
	s6 =	sadd.s32 @!p0 $0x88, s6;
	s7 =	simm.s32 @p2 $0x1082  }
0x22: {  	[simem:s7], [sflag:s8] =	dma.local @!p0 [hbm:s6], $0xF7A  }
0x23: {  	s9 =	sor.u32 $0xD0000000, s2;
	s6 =	simm.s32 $0x108;
	_ =	swait.ge @!p0 [sflag:s8], $0x0  }
0x24: {  	s3 =	sadd.s32 $0x88, s3;
	s6 =	simm.s32 @!p1 $0x1082;
	[sflag:s4] =	ssyncset.s32 $0xFFFFF086  }
0x25: {  	[simem:s6], [sflag:s4] =	dma.local [hbm:s3], $0xF7A  }
0x26: {  	[smem:$0x3F9F] =	sst s1;
	(tag) =	ssettag s2;
	_ =	strace s9  }
0x27: {  	s1 =	sld [smem:$0x3FAF]  }
0x28: {  	s2 =	sld [smem:$0x3FB0]  }
0x29: {  	s4 =	sld [smem:$0x3FB2]  }
0x2a: {  	p0 =	seq.s32 s5, $0x0;
	s5 =	sld [smem:$0x3FB3]  }
0x2b: {  	s6 =	sld [smem:$0x3FB4]  }
0x2c: {  	s7 =	sld [smem:$0x3FB5]  }
0x2d: {  	s3 =	simm.s32 $0x108;
	s8 =	sld [smem:$0x3FB6]  }
0x2e: {  	s3 =	simm.s32 @!p0 $0x1082;
	s9 =	sld [smem:$0x3FB7]  }
0x2f: {  	lr =	sadd.s32 s0, s3;
	s0 =	sld [smem:$0x3FAE]  }
0x30: {  	s3 =	sld [smem:$0x3FB1]  }
0x31: {  	[smem:$0x3FBA] =	sst s10  }
0x32: {  	s10 =	sld [smem:$0x3FB8];
	_ =	sdelay $0x3  }
0x33: {  	p0 =	seq.s32 s10, $0x1;
	s10 =	sld [smem:$0x3FBA];
	_ =	sdelay $0x3  }
0x34: {  	[smem:$0x3FBA] =	sst s10  }
0x35: {  	s10 =	sld [smem:$0x3FB9];
	_ =	sdelay $0x3  }
0x36: {  	p1 =	seq.s32 s10, $0x1;
	s10 =	sld [smem:$0x3FBA];
	_ =	sdelay $0x3  }
0x37: {  	[smem:$0x3FBA] =	sst s10  }
0x38: {  	s10 =	sld [smem:$0x3FBB]  }
0x39: {  	_ = 	snop;
	(pc) =	sbr.ind lr, $3  }
0x3a: {  	_ = 	snop  }
0x3b: {  	_ = 	snop  }
0x3c: {  	p2 =	seq.s32 s10, $0x1;
	s10 =	sld [smem:$0x3FBA]  }
0x3d: {  	_ =	shalt  }
0x3e: {  	_ =	shalt  }
0x3f: {  	_ =	shalt  }
0x40: {  	_ =	shalt  }
0x41: {  	_ =	shalt  }
0x42: {  	_ =	shalt  }
0x43: {  	_ =	shalt  }
0x44: {  	_ =	shalt  }
0x45: {  	_ =	shalt  }
0x46: {  	_ =	shalt  }
0x47: {  	_ =	shalt  }
0x48: {  	_ =	shalt  }
0x49: {  	_ =	shalt  }
0x4a: {  	_ =	shalt  }
0x4b: {  	_ =	shalt  }
0x4c: {  	_ =	shalt  }
0x4d: {  	_ =	shalt  }
0x4e: {  	_ =	shalt  }
0x4f: {  	_ =	shalt  }
0x50: {  	_ =	shalt  }
0x51: {  	_ =	shalt  }
0x52: {  	_ =	shalt  }
0x53: {  	_ =	shalt  }
0x54: {  	_ =	shalt  }
0x55: {  	_ =	shalt  }
0x56: {  	_ =	shalt  }
0x57: {  	_ =	shalt  }
0x58: {  	_ =	shalt  }
0x59: {  	_ =	shalt  }
0x5a: {  	_ =	shalt  }
0x5b: {  	_ =	shalt  }
0x5c: {  	_ =	shalt  }
0x5d: {  	_ =	shalt  }
0x5e: {  	_ =	shalt  }
0x5f: {  	_ =	shalt  }
0x60: {  	_ =	shalt  }
0x61: {  	_ =	shalt  }
0x62: {  	_ =	shalt  }
0x63: {  	_ =	shalt  }
0x64: {  	_ =	shalt  }
0x65: {  	_ =	shalt  }
0x66: {  	_ =	shalt  }
0x67: {  	_ =	shalt  }
0x68: {  	_ =	shalt  }
0x69: {  	_ =	shalt  }
0x6a: {  	_ =	shalt  }
0x6b: {  	_ =	shalt  }
0x6c: {  	_ =	shalt  }
0x6d: {  	_ =	shalt  }
0x6e: {  	_ =	shalt  }
0x6f: {  	_ =	shalt  }
0x70: {  	_ =	shalt  }
0x71: {  	_ =	shalt  }
0x72: {  	_ =	shalt  }
0x73: {  	_ =	shalt  }
0x74: {  	_ =	shalt  }
0x75: {  	_ =	shalt  }
0x76: {  	_ =	shalt  }
0x77: {  	_ =	shalt  }
0x78: {  	_ =	shalt  }
0x79: {  	_ =	shalt  }
0x7a: {  	_ =	shalt  }
0x7b: {  	_ =	shalt  }
0x7c: {  	_ =	shalt  }
0x7d: {  	_ =	shalt  }
0x7e: {  	_ =	shalt  }
0x7f: {  	_ =	shalt  }
0x80: {  	_ =	shalt  }
0x81: {  	_ =	shalt  }
0x82: {  	_ =	shalt  }
0x83: {  	_ =	shalt  }
0x84: {  	_ =	shalt  }
0x85: {  	_ =	shalt  }
0x86: {  	_ =	shalt  }
0x87: {  	_ =	shalt  }
.Lfunc_end0:
.L_simem_size_0:
called_computation.1_lowered:
.L_overlay_start_0:
0x88: {  	s2 =	sld [smem:$0x3FD9]  }
0x89: {  	s3 =	sld [smem:$0x3FFE];
	_ =	sdelay $0x1  }
0x8a: {  	s1 =	srdreg.scid  }
0x8b: {  	s0 =	sand.u32 $0x1, s1  }
0x8c: {  	s17 =	sshll.u32 s0, $0xA;
	s2 =	sadd.s32 s3, s2  }
0x8d: {  	s2 =	sadd.s32 s2, s17  }
0x8e: {  	[smem:$0x3FC6] =	sst s2  }
0x8f: {  	_ = 	snop  }
0x90: {  	s2 =	sld [smem:$0x3FD0];
	(tm) =	ssettm $0x1  }
0x91: {  	s18 =	sld [smem:$0x3FFB];
	_ =	sdelay $0x3  }
0x92: {  	_ =	strace s18  }
0x93: {  	s3 =	sld [smem:$0x3FFC];
	_ =	sdelay $0x3  }
0x94: {  	_ =	strace s3  }
0x95: {  	s3 =	sld [smem:$0x3FFD];
	_ =	sdelay $0x3  }
0x96: {  	_ =	strace s3  }
0x97: {  	_ =	strace $0x8FFFFFFF  }
0x98: {  	s19 =	sld [smem:$0x3FDB];
	_ =	sdelay $0x1  }
0x99: {  	s4 =	simm.s32 $_scs_section_size  }
0x9a: {  	s5 =	simm.s32 $_size__tile_overlayer_lowered;
	s6 =	simm.s32 $_tile_overlayer_lowered  }
0x9b: {  	s22 =	simm.s32 $0x1BFF;
	s21 =	sshll.u32 s6, $0x1;
	s3 =	sadd.s32 s4, s19  }
0x9c: {  	s7 =	simm.s32 $0x0;
	s20 =	sshll.u32 s5, $0x1;
	s5 =	sadd.s32 s21, s3  }
0x9d: {  	[timem:s7], [sflag:s22] =	dma.local [hbm:s5], s20  }
0x9e: {  	_ =	swait.ge [sflag:s22], s20  }
0x9f: {  	s4 =	ssub.s32 $0x0, s20;
	[sflag:s22] =	ssyncset.done $0x0  }
0xa0: {  	[sflag:s22] =	ssyncadd.s32 s4;
	_ =	sdelay $0x1  }
0xa1: {  	s23 =	simm.s32 $0x1B8B  }
0xa2: {  	_ =	swait.ge [sflag:s23], $0x1  }
0xa3: {  	[sflag:s23] =	ssyncset.done $0x0  }
0xa4: {  	s25 =	simm.s32 $0x1B8E;
	s24 =	sld [smem:$0x3FFE];
	[sflag:s23] =	ssyncadd.s32 $0xFFFFFFFF  }
0xa5: {  	s26 =	simm.s32 $execute0_lowered;
	[smem:$0x3FD2] =	sst s25  }
0xa6: {  	s5 =	sshll.u32 s26, $0x1;
	_ =	strace $0x80000046;
	[dreg:$0x1] =	wrdreg $0xFFFFFFFF  }
0xa7: {  	s28 =	simm.s32 $_size_execute0_lowered;
	s3 =	sadd.s32 s3, s5;
	[dreg:$0x0] =	wrdreg $0x0  }
0xa8: {  	s5 =	sshll.u32 s28, $0x1;
	[dreg:$0x2] =	wrdreg s3  }
0xa9: {  	[dreg:$0x3] =	wrdreg s5  }
0xaa: {  	[dreg:$0x4] =	wrdreg $0xC0  }
0xab: {  	_ =	task [dreg:s7], $0x5FFFF  }
0xac: {  	[dreg:$0x1] =	wrdreg $0xFFFFFFFF  }
0xad: {  	[dreg:$0x0] =	wrdreg $0x60  }
0xae: {  	[dreg:$0x2] =	wrdreg s2  }
0xaf: {  	[dreg:$0x3] =	wrdreg s24  }
0xb0: {  	[dreg:$0x4] =	wrdreg $0x9  }
0xb1: {  	_ =	task.clear_ibuf [dreg:s7], $0x5FFFF;
	_ =	strace $0x90000046  }
0xb2: {  	s29 =	simm.s32 $0x9;
	_ =	strace $0x80000048  }
0xb3: {  	_ =	swait.ge [sflag:s29], $0x1  }
0xb4: {  	[sflag:s29] =	ssyncadd.s32 $0xFFFFFFFF  }
0xb5: {  	_ =	strace $0x90000048  }
0xb6: {  	_ =	sfence  }
0xb7: {  	s30 =	sld [smem:$0x0];
	_ =	sdelay $0x2  }
0xb8: {  	s31 =	sshll.u32 s1, $0xD;
	s1 =	sshrl.u32 s1, $0x2  }
0xb9: {  	s3 =	sand.u32 $0x4000, s31;
	s1 =	sadd.s32 s1, s30  }
0xba: {  	s0 =	sor.u32 s3, s0;
	s1 =	sshll.u32 s1, $0x11  }
0xbb: {  	s0 =	sor.u32 s1, s0  }
0xbc: {  	s0 =	sadd.s32 $0x8F2B, s0  }
0xbd: {  	[sflag:s0] =	ssyncadd.remote.s32 $0x1  }
0xbe: {  	_ =	sfence.sel $0xFFFF  }
0xbf: {  	[dreg:$0x0] =	wrdreg $0xFFFFFFFF;
	(pc) =	sbr.abs _section_cstart, $3  }
0xc0: {  	[dreg:$0x1] =	wrdreg $0xFFFFFFFF  }
0xc1: {  	_ =	task.clear_ibuf [dreg:s7], $0x2FFFF;
	_ =	strace $0x9FFFFFFF  }
0xc2: {  	(tm) =	ssettm $0x7FFFFFFF  }
0xc3: {  	_ =	shalt  }
tec
execute0_lowered:
.L_overlay_start_1:
0x0: {  	(tag) =	ssettag $0x1  }
0x1: {  	s0 =	rddreg [dreg:$0x0]  }
0x2: {  	s1 =	rddreg [dreg:$0x1]  }
0x3: {  	s2 =	srdreg.scid;
	s4 =	stileid.u32;
	s18 =	simm.s32 $0x80  }
0x4: {  	s19 =	simm.s32 $0x7000;
	s20 =	simm.s32 $0xB000;
	s22 =	simm.s32 $0xF000  }
0x5: {  	s28 =	simm.s32 $0x2;
	s29 =	simm.s32 $0x6;
	s30 =	simm.s32 $0x3  }
0x6: {  	s31 =	simm.s32 $0x7;
	s3 =	sand.u32 $0x1, s2;
	s2 =	simm.s32 $0x0  }
0x7: {  	s4 =	sshll.u32 s4, $0xA;
	s5 =	sshll.u32 s3, $0x9;
	[smem:$0x7FF] =	sst s2  }
0x8: {  	s7 =	ssub.s32 $0x2, s3;
	s3 =	sadd.s32 $0xF42E00, s1;
	s6 =	sor.u32 s5, s4  }
0x9: {  	s15 =	simm.s32 $0x0;
	_ =	strace $0x80000047;
	s8 =	smul.u32 $0x380, s6  }
0xa: {  	s9 =	sshrl.u32 s7, $0x1;
	s4 =	smul.u32 $0x1C00, s6;
	s6 =	sshrl.u32 s6, $0x3  }
0xb: {  	s5 =	sadd.s32 $0xA00, s1;
	s23 =	ssub.s32 s7, s9;
	s0 =	sadd.s32 s0, s6  }
0xc: {  	s1 =	simm.s32 $0x8;
	s26 =	smax.u32 s23, $0x1;
	[dreg:$0x3] =	wrdreg s0  }
0xd: {  	s24 =	sadd.s32 s5, s8;
	s25 =	sshrl.u32 s4, $0x3;
	s8 =	sadd.s32 $0xE0000, s4  }
0xe: {  	s9 =	sadd.s32 $0x1C0000, s4;
	s10 =	sadd.s32 $0x2A0000, s4;
	[dreg:$0x5] =	wrdreg s26  }
0xf: {  	s26 =	simm.s32 $0x5;
	[dreg:$0x4] =	wrdreg s24;
	s0 =	sadd.s32 s5, s25  }
0x10: {  	s24 =	simm.s32 $0x13000;
	s25 =	simm.s32 $0x1;
	s11 =	sadd.s32 $0x1C310, s0  }
0x11: {  	s12 =	sadd.s32 $0x38310, s0;
	s13 =	sadd.s32 $0x54310, s0;
	s0 =	simm.s32 $0x4  }
.LBB2_1:
0x12: {  	s6 =	rddreg [dreg:$0x3]  }
0x13: {  	s7 =	simm.s32 $0x200;
	s14 =	simm.s32 $0x4000;
	s16 =	simm.s32 $0x9  }
0x14: {  	[tilespmem:s2], [sflag:$0x9] =	stream.strided.gather [hbm4b:s6+s7], $0x7000, s14, s7, $0x38;
	[tilespmem:$0x17000] =	vst v63  }
0x15: {  	_ =	swait.ge [sflag:s16], $0x7000  }
0x16: {  	[sflag:s16] =	ssyncset.done $0x0  }
0x17: {  	[sflag:s16] =	ssyncadd.s32 $0xFFFF9000  }
0x18: {  	[tilespmem:s19], [sflag:$0x1] =	stream.indirect.gather [hbm4b:s3+s18], $0x80, s2, s18, $0xb8;
	[tilespmem:$0x17000] =	vst v63  }
0x19: {  	_ = 	snop  }
0x1a: {  	[tilespmem:s20], [sflag:$0x2] =	stream.indirect.gather [hbm4b:s3+s18], $0x80, s18, s18, $0xb8;
	[tilespmem:$0x17000] =	vst v63  }
0x1b: {  	s17 =	simm.s32 $0x100  }
0x1c: {  	[tilespmem:s22], [sflag:$0x3] =	stream.indirect.gather [hbm4b:s3+s18], $0x80, s17, s18, $0xb8;
	[tilespmem:$0x17000] =	vst v63  }
0x1d: {  	s21 =	simm.s32 $0x180  }
0x1e: {  	[tilespmem:s24], [sflag:$0x4] =	stream.indirect.gather [hbm4b:s3+s18], $0x80, s21, s18, $0xb8;
	[tilespmem:$0x17000] =	vst v63  }
0x1f: {  	_ =	swait.ge [sflag:s25], $0x4000  }
0x20: {  	s23 =	simm.s32 $0x7000;
	[sflag:s25] =	ssyncset.done $0x0  }
0x21: {  	s6 =	simm.s32 $0x200;
	s14 =	rddreg [dreg:$0x4];
	[sflag:s25] =	ssyncadd.s32 $0xFFFFC000  }
0x22: {  	[hbm4b:s14+s2] =	stream.linear.scatter [tilespmem:s23], [sflag:$0x5], $0x40, $0x38;
	[tilespmem:$0x17000] =	vst v63  }
.LBB2_2:
0x23: {  	p0 =	sne.s32 s6, $0xFE00  }
.Ltmp0:
0x24: {  	_ = 	snop;
	(pc) =	sbr.rel @p0 .LBB2_2-.Ltmp0, $4  }
0x25: {  	_ = 	snop  }
0x26: {  	s16 =	sshra.s32 s6, $0x2;
	s6 =	sadd.s32 $0x200, s6  }
0x27: {  	s14 =	sadd.s32 $0x380, s14;
	s17 =	sadd.s32 $0x7000, s16;
	s16 =	simm.s32 $0x0  }
0x28: {  	[hbm4b:s14+s16] =	stream.linear.scatter [tilespmem:s17], [sflag:$0x5], $0x40, $0x38;
	[tilespmem:$0x17000] =	vst v63  }
.LBB2_3:
0x29: {  	s6 =	sshll.u32 s16, $0x2  }
0x2a: {  	_ =	swait.ge [sflag:s26], $0x2000;
	s21 =	sadd.s32 $0x4, s6  }
0x2b: {  	[sflag:s26] =	ssyncset.done $0x0;
	s6 =	sshll.u32 s21, $0x7  }
0x2c: {  	s23 =	sshll.u32 s16, $0x7;
	[sflag:s26] =	ssyncadd.s32 $0xFFFFE000;
	s6 =	sand.u32 $0x3FFFFE00, s6  }
0x2d: {  	[tilespmem:s19], [sflag:$0x1] =	stream.indirect.gather [hbm4b:s3+s18], $0x80, s6, s18, $0xb8;
	[tilespmem:$0x17000] =	vst v63  }
0x2e: {  	s17 =	sadd.s32 s8, s23;
	_ =	swait.ge [sflag:s28], $0x4000  }
0x2f: {  	s6 =	sshrl.u32 s17, $0x3;
	[sflag:s28] =	ssyncset.done $0x0  }
0x30: {  	s14 =	simm.s32 $0xB000;
	s6 =	sadd.s32 s5, s6;
	[sflag:s28] =	ssyncadd.s32 $0xFFFFC000  }
0x31: {  	[hbm4b:s6+s2] =	stream.linear.scatter [tilespmem:s14], [sflag:$0x6], $0x40, $0x38;
	[tilespmem:$0x17000] =	vst v63  }
0x32: {  	s14 =	simm.s32 $0x200  }
.LBB2_4:
0x33: {  	p0 =	sne.s32 s14, $0xFE00  }
.Ltmp1:
0x34: {  	_ = 	snop;
	(pc) =	sbr.rel @p0 .LBB2_4-.Ltmp1, $4  }
0x35: {  	_ = 	snop  }
0x36: {  	s17 =	sshra.s32 s14, $0x2;
	s14 =	sadd.s32 $0x200, s14  }
0x37: {  	s6 =	sadd.s32 $0x380, s6;
	s17 =	sadd.s32 $0xB000, s17  }
0x38: {  	[hbm4b:s6+s2] =	stream.linear.scatter [tilespmem:s17], [sflag:$0x6], $0x40, $0x38;
	[tilespmem:$0x17000] =	vst v63  }
0x39: {  	_ =	swait.ge [sflag:s29], $0x2000;
	s6 =	sshll.u32 s16, $0x9  }
0x3a: {  	[sflag:s29] =	ssyncset.done $0x0;
	s6 =	sand.u32 $0x3FFFFE00, s6  }
0x3b: {  	[sflag:s29] =	ssyncadd.s32 $0xFFFFE000;
	s14 =	sadd.s32 $0x280, s6  }
0x3c: {  	[tilespmem:s20], [sflag:$0x2] =	stream.indirect.gather [hbm4b:s3+s18], $0x80, s14, s18, $0xb8;
	[tilespmem:$0x17000] =	vst v63  }
0x3d: {  	s17 =	sadd.s32 s9, s23;
	_ =	swait.ge [sflag:s30], $0x4000  }
0x3e: {  	s14 =	sshrl.u32 s17, $0x3;
	[sflag:s30] =	ssyncset.done $0x0  }
0x3f: {  	s17 =	simm.s32 $0xF000;
	s14 =	sadd.s32 s5, s14;
	[sflag:s30] =	ssyncadd.s32 $0xFFFFC000  }
0x40: {  	[hbm4b:s14+s2] =	stream.linear.scatter [tilespmem:s17], [sflag:$0x7], $0x40, $0x38;
	[tilespmem:$0x17000] =	vst v63  }
0x41: {  	s17 =	simm.s32 $0x200  }
.LBB2_6:
0x42: {  	p0 =	sne.s32 s17, $0xFE00  }
.Ltmp2:
0x43: {  	_ = 	snop;
	(pc) =	sbr.rel @p0 .LBB2_6-.Ltmp2, $4  }
0x44: {  	_ = 	snop  }
0x45: {  	s7 =	sshra.s32 s17, $0x2;
	s17 =	sadd.s32 $0x200, s17  }
0x46: {  	s14 =	sadd.s32 $0x380, s14;
	s7 =	sadd.s32 $0xF000, s7  }
0x47: {  	[hbm4b:s14+s2] =	stream.linear.scatter [tilespmem:s7], [sflag:$0x7], $0x40, $0x38;
	[tilespmem:$0x17000] =	vst v63  }
0x48: {  	_ =	swait.ge [sflag:s31], $0x2000  }
0x49: {  	[sflag:s31] =	ssyncset.done $0x0  }
0x4a: {  	s7 =	sadd.s32 $0x300, s6;
	[sflag:s31] =	ssyncadd.s32 $0xFFFFE000  }
0x4b: {  	[tilespmem:s22], [sflag:$0x3] =	stream.indirect.gather [hbm4b:s3+s18], $0x80, s7, s18, $0xb8;
	[tilespmem:$0x17000] =	vst v63  }
0x4c: {  	s17 =	sadd.s32 s10, s23;
	_ =	swait.ge [sflag:s0], $0x4000  }
0x4d: {  	s23 =	simm.s32 $0x13000;
	s7 =	sshrl.u32 s17, $0x3;
	[sflag:s0] =	ssyncset.done $0x0  }
0x4e: {  	s17 =	simm.s32 $0x200;
	s14 =	sadd.s32 s5, s7;
	[sflag:s0] =	ssyncadd.s32 $0xFFFFC000  }
0x4f: {  	[hbm4b:s14+s2] =	stream.linear.scatter [tilespmem:s23], [sflag:$0x8], $0x40, $0x38;
	[tilespmem:$0x17000] =	vst v63  }
.LBB2_8:
0x50: {  	p0 =	sne.s32 s17, $0xFE00  }
.Ltmp3:
0x51: {  	_ = 	snop;
	(pc) =	sbr.rel @p0 .LBB2_8-.Ltmp3, $4  }
0x52: {  	_ = 	snop  }
0x53: {  	s7 =	sshra.s32 s17, $0x2;
	s17 =	sadd.s32 $0x200, s17  }
0x54: {  	s14 =	sadd.s32 $0x380, s14;
	s7 =	sadd.s32 $0x13000, s7  }
0x55: {  	[hbm4b:s14+s2] =	stream.linear.scatter [tilespmem:s7], [sflag:$0x8], $0x40, $0x38;
	[tilespmem:$0x17000] =	vst v63  }
0x56: {  	_ =	swait.ge [sflag:s1], $0x2000  }
0x57: {  	[sflag:s1] =	ssyncset.done $0x0  }
0x58: {  	s6 =	sadd.s32 $0x380, s6;
	s23 =	sshll.u32 s21, $0x5;
	[sflag:s1] =	ssyncadd.s32 $0xFFFFE000  }
0x59: {  	[tilespmem:s24], [sflag:$0x4] =	stream.indirect.gather [hbm4b:s3+s18], $0x80, s6, s18, $0xb8;
	[tilespmem:$0x17000] =	vst v63  }
0x5a: {  	s6 =	sadd.s32 s4, s23;
	_ =	swait.ge [sflag:s25], $0x4000  }
0x5b: {  	s7 =	simm.s32 $0x7000;
	s6 =	sshrl.u32 s6, $0x3;
	[sflag:s25] =	ssyncset.done $0x0  }
0x5c: {  	s14 =	simm.s32 $0x200;
	s6 =	sadd.s32 s5, s6;
	[sflag:s25] =	ssyncadd.s32 $0xFFFFC000  }
0x5d: {  	[hbm4b:s6+s2] =	stream.linear.scatter [tilespmem:s7], [sflag:$0x5], $0x40, $0x38;
	[tilespmem:$0x17000] =	vst v63  }
.LBB2_10:
0x5e: {  	p0 =	sne.s32 s14, $0xFE00  }
.Ltmp4:
0x5f: {  	_ = 	snop;
	(pc) =	sbr.rel @p0 .LBB2_10-.Ltmp4, $4  }
0x60: {  	_ = 	snop  }
0x61: {  	s7 =	sshra.s32 s14, $0x2;
	s14 =	sadd.s32 $0x200, s14  }
0x62: {  	s6 =	sadd.s32 $0x380, s6;
	s7 =	sadd.s32 $0x7000, s7  }
0x63: {  	[hbm4b:s6+s2] =	stream.linear.scatter [tilespmem:s7], [sflag:$0x5], $0x40, $0x38;
	[tilespmem:$0x17000] =	vst v63  }
0x64: {  	s16 =	sadd.s32 $0x1, s16  }
0x65: {  	p0 =	sne.s32 s16, $0x31  }
.Ltmp5:
0x66: {  	_ = 	snop;
	(pc) =	sbr.rel @p0 .LBB2_3-.Ltmp5, $1  }
0x67: {  	_ =	sdelay $0x3  }
0x68: {  	_ =	swait.ge [sflag:s28], $0x4000  }
0x69: {  	[sflag:s28] =	ssyncset.done $0x0  }
0x6a: {  	s6 =	simm.s32 $0xB000;
	[sflag:s28] =	ssyncadd.s32 $0xFFFFC000  }
0x6b: {  	[hbm4b:s11+s2] =	stream.linear.scatter [tilespmem:s6], [sflag:$0x6], $0x40, $0x38;
	[tilespmem:$0x17000] =	vst v63  }
0x6c: {  	s14 =	smov.u32 s11;
	s6 =	simm.s32 $0x200  }
.LBB2_13:
0x6d: {  	p0 =	sne.s32 s6, $0xFE00  }
.Ltmp6:
0x6e: {  	_ = 	snop;
	(pc) =	sbr.rel @p0 .LBB2_13-.Ltmp6, $4  }
0x6f: {  	_ = 	snop  }
0x70: {  	s7 =	sshra.s32 s6, $0x2;
	s6 =	sadd.s32 $0x200, s6  }
0x71: {  	s14 =	sadd.s32 $0x380, s14;
	s7 =	sadd.s32 $0xB000, s7  }
0x72: {  	[hbm4b:s14+s2] =	stream.linear.scatter [tilespmem:s7], [sflag:$0x6], $0x40, $0x38;
	[tilespmem:$0x17000] =	vst v63  }
0x73: {  	_ =	swait.ge [sflag:s30], $0x4000  }
0x74: {  	[sflag:s30] =	ssyncset.done $0x0  }
0x75: {  	s6 =	simm.s32 $0xF000;
	[sflag:s30] =	ssyncadd.s32 $0xFFFFC000  }
0x76: {  	[hbm4b:s12+s2] =	stream.linear.scatter [tilespmem:s6], [sflag:$0x7], $0x40, $0x38;
	[tilespmem:$0x17000] =	vst v63  }
0x77: {  	s14 =	smov.u32 s12;
	s6 =	simm.s32 $0x200  }
.LBB2_15:
0x78: {  	p0 =	sne.s32 s6, $0xFE00  }
.Ltmp7:
0x79: {  	_ = 	snop;
	(pc) =	sbr.rel @p0 .LBB2_15-.Ltmp7, $4  }
0x7a: {  	_ = 	snop  }
0x7b: {  	s7 =	sshra.s32 s6, $0x2;
	s6 =	sadd.s32 $0x200, s6  }
0x7c: {  	s14 =	sadd.s32 $0x380, s14;
	s7 =	sadd.s32 $0xF000, s7  }
0x7d: {  	[hbm4b:s14+s2] =	stream.linear.scatter [tilespmem:s7], [sflag:$0x7], $0x40, $0x38;
	[tilespmem:$0x17000] =	vst v63  }
0x7e: {  	_ =	swait.ge [sflag:s0], $0x4000  }
0x7f: {  	[sflag:s0] =	ssyncset.done $0x0  }
0x80: {  	s6 =	simm.s32 $0x13000;
	[sflag:s0] =	ssyncadd.s32 $0xFFFFC000  }
0x81: {  	[hbm4b:s13+s2] =	stream.linear.scatter [tilespmem:s6], [sflag:$0x8], $0x40, $0x38;
	[tilespmem:$0x17000] =	vst v63  }
0x82: {  	s14 =	smov.u32 s13;
	s6 =	simm.s32 $0x200  }
.LBB2_17:
0x83: {  	p0 =	sne.s32 s6, $0xFE00  }
.Ltmp8:
0x84: {  	_ = 	snop;
	(pc) =	sbr.rel @p0 .LBB2_17-.Ltmp8, $4  }
0x85: {  	_ = 	snop  }
0x86: {  	s7 =	sshra.s32 s6, $0x2;
	s6 =	sadd.s32 $0x200, s6  }
0x87: {  	s14 =	sadd.s32 $0x380, s14;
	s7 =	sadd.s32 $0x13000, s7  }
0x88: {  	[hbm4b:s14+s2] =	stream.linear.scatter [tilespmem:s7], [sflag:$0x8], $0x40, $0x38;
	[tilespmem:$0x17000] =	vst v63  }
0x89: {  	_ =	swait.ge [sflag:s26], $0x2000  }
0x8a: {  	[sflag:s26] =	ssyncset.done $0x0  }
0x8b: {  	[sflag:s26] =	ssyncadd.s32 $0xFFFFE000  }
0x8c: {  	_ =	swait.ge [sflag:s29], $0x2000  }
0x8d: {  	[sflag:s29] =	ssyncset.done $0x0  }
0x8e: {  	[sflag:s29] =	ssyncadd.s32 $0xFFFFE000  }
0x8f: {  	_ =	swait.ge [sflag:s31], $0x2000  }
0x90: {  	[sflag:s31] =	ssyncset.done $0x0  }
0x91: {  	[sflag:s31] =	ssyncadd.s32 $0xFFFFE000  }
0x92: {  	_ =	swait.ge [sflag:s1], $0x2000  }
0x93: {  	s15 =	sadd.s32 $0x1, s15;
	s6 =	rddreg [dreg:$0x5]  }
0x94: {  	p0 =	sne.s32 s15, s6  }
.Ltmp9:
0x95: {  	_ = 	snop;
	(pc) =	sbr.rel @p0 .LBB2_1-.Ltmp9, $3  }
0x96: {  	_ =	sdelay $0x1  }
0x97: {  	[sflag:s1] =	ssyncset.done $0x0  }
0x98: {  	[sflag:s1] =	ssyncadd.s32 $0xFFFFE000  }
0x99: {  	_ =	sfence.sel $0x180000  }
0x9a: {  	[bflag:$0x0] =	sbarrier.arrive $0xFFFF  }
0x9b: {  	_ =	strace $0x90000047  }
0x9c: {  	s0 =	stileid.u32;
	[bflag:$0x2] =	sbarrier.arrive $0xFFFF  }
0x9d: {  	p0 =	sne.s32 s0, $0x0;
	s0 =	rddreg [dreg:$0x2]  }
0x9e: {  	s0 =	sadd.s32 @!p0 $0x100000, s0  }
0x9f: {  	[sflag:s0] =	ssyncadd.tile.s32 @!p0 $0x1;
	_ =	shalt  }
.Lfunc_end2:
_tile_overlayer_lowered:
.L_overlay_start_2:
0xa0: {  	(tag) =	ssettag $0x2  }
0xa1: {  	s0 =	rddreg [dreg:$0x0];
	s2 =	stileid.u32  }
0xa2: {  	s1 =	rddreg [dreg:$0x1];
	p0 =	sne.s32 s2, $0x0  }
0xa3: {  	s3 =	rddreg [dreg:$0x2];
	[bflag:$0x3] =	sbarrier.arrive $0xFFFF;
	s2 =	simm.s32 @!p0 $0x1C09  }
0xa4: {  	[timem:s3], [sflag:s2] =	dma.local @!p0 [hbm:s0], s1  }
0xa5: {  	s0 =	simm.s32 @!p0 $0x9  }
0xa6: {  	_ =	swait.ge @!p0 [sflag:s0], s1  }
0xa7: {  	s1 =	ssub.s32 @!p0 $0x0, s1;
	[sflag:s0] =	ssyncset.done @!p0 $0x0  }
0xa8: {  	[sflag:s0] =	ssyncadd.s32 @!p0 s1  }
0xa9: {  	[bflag:$0x3] =	sbarrier.arrive $0xFFFF  }
0xaa: {  	_ =	shalt  }

// kernel: sparse-core-data-format-call.cloned.1.call-start
scs
called_computation_lowered:
.L_overlay_start_0:
0x0: {  	s2 =	sld [smem:$0x3FD9]  }
0x1: {  	s3 =	sld [smem:$0x3FFE];
	_ =	sdelay $0x1  }
0x2: {  	s1 =	srdreg.scid  }
0x3: {  	s0 =	sand.u32 $0x1, s1  }
0x4: {  	s18 =	sshll.u32 s0, $0xA;
	s2 =	sadd.s32 s3, s2  }
0x5: {  	s2 =	sadd.s32 s2, s18  }
0x6: {  	[smem:$0x3FC6] =	sst s2  }
0x7: {  	_ = 	snop  }
0x8: {  	s2 =	sld [smem:$0x3FD0];
	(tm) =	ssettm $0x1  }
0x9: {  	s19 =	sld [smem:$0x3FFB];
	_ =	sdelay $0x3  }
0xa: {  	_ =	strace s19  }
0xb: {  	s3 =	sld [smem:$0x3FFC];
	_ =	sdelay $0x3  }
0xc: {  	_ =	strace s3  }
0xd: {  	s3 =	sld [smem:$0x3FFD];
	_ =	sdelay $0x3  }
0xe: {  	_ =	strace s3  }
0xf: {  	_ =	strace $0x8FFFFFFF  }
0x10: {  	s20 =	sld [smem:$0x3FDB];
	_ =	sdelay $0x1  }
0x11: {  	s4 =	simm.s32 $_scs_section_size  }
0x12: {  	s5 =	simm.s32 $_size__tile_overlayer_lowered;
	s6 =	simm.s32 $_tile_overlayer_lowered  }
0x13: {  	s23 =	simm.s32 $0x1BFF;
	s22 =	sshll.u32 s6, $0x1;
	s3 =	sadd.s32 s4, s20  }
0x14: {  	s7 =	simm.s32 $0x0;
	s21 =	sshll.u32 s5, $0x1;
	s5 =	sadd.s32 s22, s3  }
0x15: {  	[timem:s7], [sflag:s23] =	dma.local [hbm:s5], s21  }
0x16: {  	_ =	swait.ge [sflag:s23], s21  }
0x17: {  	s4 =	ssub.s32 $0x0, s21;
	[sflag:s23] =	ssyncset.done $0x0  }
0x18: {  	[sflag:s23] =	ssyncadd.s32 s4;
	_ =	sdelay $0x1  }
0x19: {  	s24 =	simm.s32 $0x1B8B  }
0x1a: {  	_ =	swait.ge [sflag:s24], $0x1  }
0x1b: {  	[sflag:s24] =	ssyncset.done $0x0  }
0x1c: {  	s26 =	simm.s32 $0x1B8E;
	s25 =	sld [smem:$0x3FFE];
	[sflag:s24] =	ssyncadd.s32 $0xFFFFFFFF  }
0x1d: {  	s27 =	simm.s32 $execute0_lowered;
	[smem:$0x3FD2] =	sst s26  }
0x1e: {  	s5 =	sshll.u32 s27, $0x1;
	_ =	strace $0x80000049;
	[dreg:$0x1] =	wrdreg $0xFFFFFFFF  }
0x1f: {  	s28 =	simm.s32 $_size_execute0_lowered;
	s3 =	sadd.s32 s3, s5;
	[dreg:$0x0] =	wrdreg $0x0  }
0x20: {  	s5 =	sshll.u32 s28, $0x1;
	[dreg:$0x2] =	wrdreg s3  }
0x21: {  	[dreg:$0x3] =	wrdreg s5  }
0x22: {  	[dreg:$0x4] =	wrdreg $0xC0  }
0x23: {  	_ =	task [dreg:s7], $0x5FFFF  }
0x24: {  	[dreg:$0x1] =	wrdreg $0xFFFFFFFF  }
0x25: {  	[dreg:$0x0] =	wrdreg $0x60  }
0x26: {  	[dreg:$0x2] =	wrdreg s25  }
0x27: {  	[dreg:$0x3] =	wrdreg s2  }
0x28: {  	[dreg:$0x4] =	wrdreg $0x9  }
0x29: {  	_ =	task.clear_ibuf [dreg:s7], $0x5FFFF;
	_ =	strace $0x90000049  }
0x2a: {  	s29 =	simm.s32 $0x9;
	_ =	strace $0x8000004B  }
0x2b: {  	_ =	swait.ge [sflag:s29], $0x1  }
0x2c: {  	[sflag:s29] =	ssyncadd.s32 $0xFFFFFFFF  }
0x2d: {  	_ =	strace $0x9000004B  }
0x2e: {  	_ =	sfence  }
0x2f: {  	s30 =	sld [smem:$0x0];
	_ =	sdelay $0x2  }
0x30: {  	s31 =	sshll.u32 s1, $0xD;
	s1 =	sshrl.u32 s1, $0x2  }
0x31: {  	s3 =	sand.u32 $0x4000, s31;
	s1 =	sadd.s32 s1, s30  }
0x32: {  	s0 =	sor.u32 s3, s0;
	s1 =	sshll.u32 s1, $0x11  }
0x33: {  	s0 =	sor.u32 s1, s0  }
0x34: {  	s0 =	sadd.s32 $0x8F2B, s0  }
0x35: {  	[sflag:s0] =	ssyncadd.remote.s32 $0x1  }
0x36: {  	_ =	sfence.sel $0xFFFF  }
0x37: {  	[dreg:$0x0] =	wrdreg $0xFFFFFFFF;
	(pc) =	sbr.abs _section_cstart, $3  }
0x38: {  	[dreg:$0x1] =	wrdreg $0xFFFFFFFF  }
0x39: {  	_ =	task.clear_ibuf [dreg:s7], $0x2FFFF;
	_ =	strace $0x9FFFFFFF  }
0x3a: {  	(tm) =	ssettm $0x7FFFFFFF  }
0x3b: {  	_ =	shalt  }
tec
execute0_lowered:
.L_overlay_start_1:
0x0: {  	(tag) =	ssettag $0x1  }
0x1: {  	s0 =	srdreg.scid  }
0x2: {  	s1 =	sshll.u32 s0, $0x4  }
0x3: {  	s0 =	stileid.u32;
	s1 =	sand.u32 $0x10, s1  }
0x4: {  	s1 =	sor.u32 s0, s1  }
0x5: {  	s6 =	rddreg [dreg:$0x0];
	s4 =	simm.s32 $0x1;
	s2 =	sshll.u32 s1, $0x7  }
0x6: {  	s7 =	simm.s32 $0x2;
	s12 =	simm.s32 $0x0;
	s1 =	ssub.s32 $0x4000, s2  }
0x7: {  	s8 =	simm.s32 $0x20000;
	s13 =	simm.s32 $0x0;
	s3 =	sand.u32 $0xF80, s1  }
0x8: {  	s9 =	simm.s32 $0x0;
	s5 =	sshrl.u32 s1, $0xC;
	p0 =	sne.s32 s3, $0x0  }
.Ltmp0:
0x9: {  	s1 =	rddreg [dreg:$0x2];
	s4 =	simm.s32 @!p0 $0x0;
	(pc) =	sbr.rel .LBB1_1-.Ltmp0, $4  }
0xa: {  	s11 =	simm.s32 $0x0;
	s3 =	rddreg [dreg:$0x1];
	s5 =	sadd.s32 s4, s5  }
0xb: {  	_ =	strace $0x8000004A;
	s4 =	simm.s32 $0x1;
	s5 =	smul.u32 $0x32, s5  }
0xc: {  	s6 =	sadd.s32 $0xA00, s6;
	s10 =	smov.u32 s2;
	[sflag:s4] =	ssyncpa.u1 $0x0  }
0xd: {  	p0 =	por $0x0, $0x0;
	[sflag:s7] =	ssyncpa.u1 $0x0;
	s7 =	sor.u32 $0x1, s5  }
.LBB1_4:
0xe: {  	s16 =	sshll.u32 s13, $0x3;
	s17 =	sand.u32 $0x78, s13  }
0xf: {  	s30 =	sand.u32 $0x1F800, s13;
	s12 =	sshll.u32 s12, $0x11;
	s16 =	sand.u32 $0x3C00, s16  }
0x10: {  	[tilespmem:s15+$0x810 ss:$0x81] =	vst.msk $0xffff, v2;
	s31 =	sand.u32 $0x7, s13;
	s16 =	sor.u32 s17, s16;
	s17 =	sadd.s32 s3, s30  }
0x11: {  	[tilespmem:s15+$0x1020 ss:$0x81] =	vst.msk $0xffff, v0;
	s13 =	sshll.u32 s31, $0x12;
	s12 =	sadd.s32 s12, s17;
	s16 =	sshrl.u32 s16, $0x3  }
0x12: {  	[tilespmem:s15+$0x0 ss:$0x81] =	vst.msk $0xffff, v1;
	s13 =	sor.u32 $0x400, s13;
	s12 =	sadd.s32 s16, s12  }
0x13: {  	[hbm4b:s12+s13] =	stream.strided.scatter [tilespmem:s14], [sflag:$0x2], $0x2000, s8, s13, $0x20;
	[tilespmem:$0x8080] =	vst v63  }
.LBB1_5:
0x14: {  	s14 =	sadd.s32 $0x1, s9  }
0x15: {  	s12 =	sadd.s32 $0x1000, s10;
	s16 =	smov.u32 s10;
	p2 =	sgt.s32 s14, $0x31  }
0x16: {  	s16 =	smov.u32 @p2 s12  }
0x17: {  	s14 =	simm.s32 @p2 $0x0;
	p2 =	sgt.s32 s16, $0x3FFF  }
0x18: {  	s16 =	smov.u32 @p2 s2;
	p2 =	sne.s32 s11, s7  }
.Ltmp1:
0x19: {  	p1 =	slt.u32 s11, $0x2;
	(pc) =	sbr.rel @!p2 .LBB1_6-.Ltmp1, $4  }
0x1a: {  	s15 =	simm.s32 @!p1 $0x2  }
0x1b: {  	s13 =	smov.u32 s10;
	p0 =	por !p0, !p0;
	_ =	swait.ge @!p1 [sflag:s15], $0x2000  }
0x1c: {  	s12 =	smov.u32 s9;
	[sflag:s15] =	ssyncset.done @!p1 $0x0;
	s9 =	smov.u32 s14  }
0x1d: {  	s11 =	sadd.s32 $0x1, s11;
	[sflag:s15] =	ssyncadd.s32 @!p1 $0xFFFFE000;
	s10 =	smov.u32 s16  }
.LBB1_1:
0x1e: {  	p1 =	sge.u32 s11, s5  }
0x1f: {  	s14 =	sand.u32 @!p1 $0x1FFFFFF, s9  }
0x20: {  	s15 =	smulhi.u32 @!p1 $0x4924925, s14;
	_ =	sdelay $0x1  }
0x21: {  	s15 =	smul.u32 @!p1 $0x38, s15  }
0x22: {  	s16 =	sxor.u32 @!p1 $0xFFFFFFFF, s11;
	s17 =	smul.u32 @!p1 $0x380, s10  }
0x23: {  	s31 =	sadd.s32 $0xFFFFFFFF, s11;
	s16 =	sshll.u32 @!p1 s16, $0xD;
	s14 =	ssub.s32 @!p1 s14, s15  }
0x24: {  	s15 =	sand.u32 @!p1 $0x2000, s16;
	s16 =	sadd.s32 @!p1 s6, s17;
	s14 =	sshll.u32 @!p1 s14, $0x4  }
0x25: {  	s17 =	simm.s32 @!p1 $0x1C00;
	s14 =	sadd.s32 @!p1 s14, s16;
	s16 =	simm.s32 @!p1 $0x40  }
0x26: {  	[tilespmem:s15], [sflag:$0x1] =	stream.strided.gather @!p1 [hbm4b:s14+s16], $0x2000, s17, s16, $0x38;
	[tilespmem:$0x8080] =	vst v63  }
0x27: {  	p1 =	sge.u32 s31, s5  }
.Ltmp2:
0x28: {  	_ = 	snop;
	(pc) =	sbr.rel @p1 .LBB1_5-.Ltmp2, $1  }
0x29: {  	_ =	sdelay $0x3  }
0x2a: {  	s14 =	simm.s32 $0x1  }
0x2b: {  	_ =	swait.ge [sflag:s4], $0x2000;
	s14 =	simm.s32 @!p0 $0x0  }
0x2c: {  	[sflag:s4] =	ssyncset.done $0x0;
	s15 =	sshll.u32 s14, $0xD  }
0x2d: {  	[sflag:s4] =	ssyncadd.s32 $0xFFFFE000;
	s18 =	sor.u32 $0x20, s15  }
0x2e: {  	s14 =	smul.u32 $0x8100, s14;
	v3 =	vld [tilespmem:s18+$0x10]  }
0x2f: {  	s30 =	sand.u32 $0x1, s11;
	v2 =	vld [tilespmem:s18+$0xFFFFFFF0]  }
0x30: {  	s15 =	smul.u32 $0x8100, s30;
	s14 =	sshrl.u32 s14, $0x2;
	v0 =	vld [tilespmem:s18+$0x0]  }
0x31: {  	v1 =	vld [tilespmem:s18+$0xFFFFFFE0];
	s16 =	sor.u32 $0x4000, s14  }
0x32: {  	s31 =	sshrl.u32 s15, $0x2;
	s15 =	sadd.s32 $0x0, s16  }
0x33: {  	s17 =	simm.s32 $0x4;
	s18 =	sadd.s32 $0x40, s18;
	s14 =	sor.u32 $0x4000, s31;
	[tilespmem:s15+$0x1830 ss:$0x81] =	vst.msk $0xffff, v3  }
.LBB1_3:
0x34: {  	v3 =	vld [tilespmem:s18+$0x10];
	p1 =	sne.s32 s17, $0x1FC;
	[tilespmem:s15+$0x810 ss:$0x81] =	vst.msk $0xffff, v2;
	s19 =	smov.u32 s17;
	s17 =	sadd.s32 $0x4, s17  }
.Ltmp3:
0x35: {  	v2 =	vld [tilespmem:s18+$0xFFFFFFF0];
	[tilespmem:s15+$0x1020 ss:$0x81] =	vst.msk $0xffff, v0;
	(pc) =	sbr.rel @p1 .LBB1_3-.Ltmp3, $4  }
0x36: {  	v0 =	vld [tilespmem:s18+$0x0];
	[tilespmem:s15+$0x0 ss:$0x81] =	vst.msk $0xffff, v1  }
0x37: {  	s15 =	sshra.s32 s19, $0x2;
	v1 =	vld [tilespmem:s18+$0xFFFFFFE0]  }
0x38: {  	s15 =	sadd.s32 s15, s16  }
0x39: {  	s18 =	sadd.s32 $0x40, s18;
	[tilespmem:s15+$0x1830 ss:$0x81] =	vst.msk $0xffff, v3  }
.Ltmp4:
0x3a: {  	_ = 	snop;
	(pc) =	sbr.rel .LBB1_4-.Ltmp4, $1  }
0x3b: {  	_ =	sdelay $0x3  }
.LBB1_6:
0x3c: {  	_ =	sfence.sel $0x180000  }
0x3d: {  	s2 =	simm.s32 $0x1;
	[bflag:$0x0] =	sbarrier.arrive $0xFFFF  }
0x3e: {  	s31 =	simm.s32 $0x2;
	[sflag:s2] =	ssyncpa.u1 $0x1  }
0x3f: {  	[sflag:s31] =	ssyncpa.u1 $0x1  }
0x40: {  	p0 =	sne.s32 s0, $0x0;
	_ =	strace $0x9000004A  }
0x41: {  	s0 =	sadd.s32 @!p0 $0x100000, s1;
	[bflag:$0x2] =	sbarrier.arrive $0xFFFF  }
0x42: {  	[sflag:s0] =	ssyncadd.tile.s32 @!p0 $0x1;
	_ =	shalt  }
.Lfunc_end1:
_tile_overlayer_lowered:
.L_overlay_start_2:
0x43: {  	(tag) =	ssettag $0x2  }
0x44: {  	s0 =	rddreg [dreg:$0x0];
	s2 =	stileid.u32  }
0x45: {  	s1 =	rddreg [dreg:$0x1];
	p0 =	sne.s32 s2, $0x0  }
0x46: {  	s3 =	rddreg [dreg:$0x2];
	[bflag:$0x3] =	sbarrier.arrive $0xFFFF;
	s2 =	simm.s32 @!p0 $0x1C01  }
0x47: {  	[timem:s3], [sflag:s2] =	dma.local @!p0 [hbm:s0], s1  }
0x48: {  	s0 =	simm.s32 @!p0 $0x1  }
0x49: {  	_ =	swait.ge @!p0 [sflag:s0], s1  }
0x4a: {  	s1 =	ssub.s32 @!p0 $0x0, s1;
	[sflag:s0] =	ssyncset.done @!p0 $0x0  }
0x4b: {  	[sflag:s0] =	ssyncadd.s32 @!p0 s1  }
0x4c: {  	[bflag:$0x3] =	sbarrier.arrive $0xFFFF  }
0x4d: {  	_ =	shalt  }

</sc_bundles>
